<compile_context>
chip_gen: v7x
topology: tpu7x:2x2x1
jax: 0.10.2.dev20260603
libtpu: 0.0.44.dev20260713+nightly
codegen_flags: <defaults>
</compile_context>

<pallas_src>
import functools

import jax
import jax.numpy as jnp
from jax.experimental import pallas as pl
from jax.experimental.pallas import tpu as pltpu

TB = 512
TM = 256


def _prologue_body(dom_ref, x_ref, wenc_ref, benc_ref, rot_ref, wrt_ref,
                   winv_ref, whead_ref, bhead_ref,
                   h_ref, rw_ref, inv_ref, i1_ref, i2_ref, g1_ref, g2_ref):
    E = rw_ref.shape[-1]
    ND = rot_ref.shape[0]
    xb = x_ref[...].astype(jnp.bfloat16)
    h = jnp.dot(xb, wenc_ref[...], preferred_element_type=jnp.float32) + benc_ref[...]
    dom = dom_ref[...]
    rot = jnp.zeros_like(h)
    for d in range(ND):
        rot = rot + jnp.where(dom == d, 1.0, 0.0) * rot_ref[d:d + 1, :]
    h = h * rot
    hb = h.astype(jnp.bfloat16)
    h_ref[...] = hb
    logits = jnp.dot(hb, wrt_ref[...], preferred_element_type=jnp.float32)
    lane = jax.lax.broadcasted_iota(jnp.int32, logits.shape, 1)
    valid = lane < E
    lm = jnp.where(valid, logits, jnp.float32(-1e30))
    m = jnp.max(lm, axis=1, keepdims=True)
    p = jnp.where(valid, jnp.exp(lm - m), 0.0)
    s = jnp.sum(p, axis=1, keepdims=True)
    rw = p / s
    rw_ref[...] = rw[:, :E]
    v1 = jnp.max(rw, axis=1, keepdims=True)
    i1 = jnp.min(jnp.where(rw == v1, lane, 128), axis=1, keepdims=True)
    rw2 = jnp.where(lane == i1, jnp.float32(-1.0), rw)
    v2 = jnp.max(rw2, axis=1, keepdims=True)
    i2 = jnp.min(jnp.where(rw2 == v2, lane, 128), axis=1, keepdims=True)
    denom = v1 + v2 + jnp.float32(1e-9)
    i1_ref[...] = i1
    i2_ref[...] = i2
    g1_ref[...] = v1 / denom
    g2_ref[...] = v2 / denom
    ic = jnp.tanh(jnp.dot(hb, winv_ref[...], preferred_element_type=jnp.float32))
    inv_ref[...] = jnp.dot(ic.astype(jnp.bfloat16), whead_ref[...],
                           preferred_element_type=jnp.float32) + bhead_ref[...]


def _ffn_body(te_ref, x_ref, w1_ref, w2_ref, y_ref):
    a = jnp.dot(x_ref[...], w1_ref[0], preferred_element_type=jnp.float32)
    act = jax.nn.gelu(a).astype(jnp.bfloat16)
    y_ref[...] = jnp.dot(act, w2_ref[0], preferred_element_type=jnp.float32)


def kernel(x, domain_idx, W_enc, b_enc, rotors, W_router, W1, W2, W_inv, W_head, b_head):
    T, D = x.shape
    E = W_router.shape[1]
    F = W1.shape[2]
    ND = rotors.shape[0]
    CL = W_inv.shape[1]
    idt = jnp.int32
    bf = jnp.bfloat16

    dom2 = domain_idx.astype(idt)[:, None]
    wenc_bf = W_enc.astype(bf)
    wrt_pad = jnp.zeros((D, 128), bf).at[:, :E].set(W_router.astype(bf))
    winv_pad = jnp.zeros((D, 128), bf).at[:, :CL].set(W_inv.astype(bf))
    whead_pad = jnp.zeros((128, D), bf).at[:CL, :].set(W_head.astype(bf))
    w1_bf = W1.astype(bf)
    w2_bf = W2.astype(bf)
    benc2 = b_enc[None, :]
    bhead2 = b_head[None, :]

    n_tb = T // TB
    full = lambda i: (0, 0)
    grid_spec = pl.GridSpec(
        grid=(n_tb,),
        in_specs=[
            pl.BlockSpec((TB, 1), lambda i: (i, 0)),
            pl.BlockSpec((TB, D), lambda i: (i, 0)),
            pl.BlockSpec((D, D), full),
            pl.BlockSpec((1, D), full),
            pl.BlockSpec((ND, D), full),
            pl.BlockSpec((D, 128), full),
            pl.BlockSpec((D, 128), full),
            pl.BlockSpec((128, D), full),
            pl.BlockSpec((1, D), full),
        ],
        out_specs=[
            pl.BlockSpec((TB, D), lambda i: (i, 0)),
            pl.BlockSpec((TB, E), lambda i: (i, 0)),
            pl.BlockSpec((TB, D), lambda i: (i, 0)),
            pl.BlockSpec((TB, 1), lambda i: (i, 0)),
            pl.BlockSpec((TB, 1), lambda i: (i, 0)),
            pl.BlockSpec((TB, 1), lambda i: (i, 0)),
            pl.BlockSpec((TB, 1), lambda i: (i, 0)),
        ],
    )
    h_bf, rw, inv, i1, i2, g1, g2 = pl.pallas_call(
        _prologue_body,
        grid_spec=grid_spec,
        out_shape=[
            jax.ShapeDtypeStruct((T, D), bf),
            jax.ShapeDtypeStruct((T, E), jnp.float32),
            jax.ShapeDtypeStruct((T, D), jnp.float32),
            jax.ShapeDtypeStruct((T, 1), idt),
            jax.ShapeDtypeStruct((T, 1), idt),
            jax.ShapeDtypeStruct((T, 1), jnp.float32),
            jax.ShapeDtypeStruct((T, 1), jnp.float32),
        ],
    )(dom2, x, wenc_bf, benc2, rotors, wrt_pad, winv_pad, whead_pad, bhead2)

    A = 2 * T
    expert_all = jnp.concatenate([i1[:, 0], i2[:, 0]])
    token_all = jnp.concatenate([jnp.arange(T, dtype=idt)] * 2)
    ohT = (jnp.arange(E, dtype=idt)[:, None] == expert_all[None, :]).astype(idt)
    csT = jnp.cumsum(ohT, axis=1)
    rank = jnp.sum(jnp.where(ohT == 1, csT, 0), axis=0) - 1
    counts = csT[:, -1]
    padded = ((counts + TM - 1) // TM) * TM
    offp = jnp.concatenate([jnp.zeros((1,), idt), jnp.cumsum(padded)[:-1].astype(idt)])
    dest = offp[expert_all] + rank
    P = A + E * TM
    slot_token = jnp.zeros((P,), idt).at[dest].set(token_all)
    ntiles = P // TM
    bound = jnp.cumsum(padded).astype(idt)
    tile_expert = jnp.searchsorted(bound, jnp.arange(ntiles, dtype=idt) * TM, side='right').astype(idt)
    tile_expert = jnp.minimum(tile_expert, E - 1)

    x_sorted = jnp.take(h_bf, slot_token, axis=0)
    ffn_spec = pltpu.PrefetchScalarGridSpec(
        num_scalar_prefetch=1,
        grid=(ntiles,),
        in_specs=[
            pl.BlockSpec((TM, D), lambda i, te: (i, 0)),
            pl.BlockSpec((1, D, F), lambda i, te: (te[i], 0, 0)),
            pl.BlockSpec((1, F, D), lambda i, te: (te[i], 0, 0)),
        ],
        out_specs=pl.BlockSpec((TM, D), lambda i, te: (i, 0)),
    )
    y_sorted = pl.pallas_call(
        _ffn_body,
        grid_spec=ffn_spec,
        out_shape=jax.ShapeDtypeStruct((P, D), jnp.float32),
    )(tile_expert, x_sorted, w1_bf, w2_bf)

    out = g1 * jnp.take(y_sorted, dest[:T], axis=0) + g2 * jnp.take(y_sorted, dest[T:], axis=0)

    return (out, rw, inv)

# --- scband reference (transcript-rebuilt; emitter-appended) ---
"""Pipeline reference for scband-hdimmodel-45595372814976 (READ-ONLY COPY).

The authoritative reference and input builder live on the scoring server;
editing this copy changes nothing except your own understanding.
"""

import jax, jax.numpy as jnp
import numpy as np

T = 4096        # tokens (batch 2 x seq 2048)
D = 1024        # hidden_dim
E = 8           # num_experts
TOPK = 2
F = 2048        # expert FFN dim
NUM_DOMAINS = 4
CLIFF = 16      # clifford_dim = 2**(p+q+r) = 2**4


def setup_inputs(seed: int = 0) -> dict:
    key = jax.random.key(seed)
    ks = jax.random.split(key, 12)
    inp = {}
    inp['x'] = jax.random.normal(ks[0], (T, D), dtype=jnp.float32)
    inp['domain_idx'] = jax.random.randint(ks[1], (T,), 0, NUM_DOMAINS, dtype=jnp.int64)
    # learned parameters (HDIMPipeline encoder / domain rotors / router / experts / invariant heads)
    inp['W_enc'] = jax.random.normal(ks[2], (D, D), dtype=jnp.float32) / np.sqrt(D)
    inp['b_enc'] = jnp.zeros((D,), dtype=jnp.float32)
    inp['rotors'] = 1.0 + 0.02 * jax.random.normal(ks[3], (NUM_DOMAINS, D), dtype=jnp.float32)
    inp['W_router'] = jax.random.normal(ks[4], (D, E), dtype=jnp.float32) / np.sqrt(D)
    inp['W1'] = jax.random.normal(ks[5], (E, D, F), dtype=jnp.float32) / np.sqrt(D)
    inp['W2'] = jax.random.normal(ks[6], (E, F, D), dtype=jnp.float32) / np.sqrt(F)
    inp['W_inv'] = jax.random.normal(ks[7], (D, CLIFF), dtype=jnp.float32) / np.sqrt(D)
    inp['W_head'] = jax.random.normal(ks[8], (CLIFF, D), dtype=jnp.float32) / np.sqrt(CLIFF)
    inp['b_head'] = jnp.zeros((D,), dtype=jnp.float32)
    return inp


def reference(x, domain_idx, W_enc, b_enc, rotors, W_router, W1, W2, W_inv, W_head, b_head):
    # 1) encoder projection (dropout is identity in eval)
    h = x @ W_enc + b_enc
    # 2) domain rotor: per-token gather of domain-specific (diagonal) rotor
    rot = jnp.take(rotors, domain_idx, axis=0)            # [T, D] gather
    h = h * rot
    # 3) R3MoE router: softmax routing + top-k gating (renormalized)
    logits = h @ W_router                                  # [T, E]
    routing_weights = jax.nn.softmax(logits, axis=-1)
    topk_vals, topk_idx = jax.lax.top_k(routing_weights, TOPK)
    topk_gate = topk_vals / (jnp.sum(topk_vals, axis=-1, keepdims=True) + 1e-9)
    gates = jnp.zeros((T, E), dtype=h.dtype).at[jnp.arange(T)[:, None], topk_idx].set(topk_gate)
    # 4) expert FFNs combined by gates (dense equivalent of token dispatch)
    out = jnp.zeros_like(h)
    for e in range(E):
        he = jax.nn.gelu(h @ W1[e])
        out = out + gates[:, e:e + 1] * (he @ W2[e])
    # 5) canonical training invariant -> hidden-dim projection
    inv_clifford = jnp.tanh(h @ W_inv)                     # [T, clifford_dim]
    invariant = inv_clifford @ W_head + b_head             # [T, D]
    return (out, routing_weights, invariant)

if __name__ == "__main__":
    import jax
    _d = setup_inputs()
    print(jax.jit(kernel)(*tuple(_d.values())))

</pallas_src>

<mosaic_0001>
module attributes {stable_mosaic.version = 14 : i64} {
  func.func @_prologue_body(%arg0: i32, %arg1: memref<512x1xi32, #tpu.memory_space<vmem>>, %arg2: memref<512x1024xf32, #tpu.memory_space<vmem>>, %arg3: memref<1024x1024xbf16, #tpu.memory_space<vmem>>, %arg4: memref<1x1024xf32, #tpu.memory_space<vmem>>, %arg5: memref<4x1024xf32, #tpu.memory_space<vmem>>, %arg6: memref<1024x128xbf16, #tpu.memory_space<vmem>>, %arg7: memref<1024x128xbf16, #tpu.memory_space<vmem>>, %arg8: memref<128x1024xbf16, #tpu.memory_space<vmem>>, %arg9: memref<1x1024xf32, #tpu.memory_space<vmem>>, %arg10: memref<512x1024xbf16, #tpu.memory_space<vmem>>, %arg11: memref<512x8xf32, #tpu.memory_space<vmem>>, %arg12: memref<512x1024xf32, #tpu.memory_space<vmem>>, %arg13: memref<512x1xi32, #tpu.memory_space<vmem>>, %arg14: memref<512x1xi32, #tpu.memory_space<vmem>>, %arg15: memref<512x1xf32, #tpu.memory_space<vmem>>, %arg16: memref<512x1xf32, #tpu.memory_space<vmem>>) attributes {dimension_semantics = [#tpu.dimension_semantics<arbitrary>], iteration_bounds = array<i64: 8>, scalar_prefetch = 0 : i64, scratch_operands = 0 : i64, tpu.core_type = #tpu.core_type<tc>, window_params = [{transform_indices = @transform_0, window_bounds = array<i64: 512, 1>}, {transform_indices = @transform_1, window_bounds = array<i64: 512, 1024>}, {pipeline_mode = #tpu.pipeline_mode<synchronous>, transform_indices = @transform_2, window_bounds = array<i64: 1024, 1024>}, {pipeline_mode = #tpu.pipeline_mode<synchronous>, transform_indices = @transform_3, window_bounds = array<i64: 1, 1024>}, {pipeline_mode = #tpu.pipeline_mode<synchronous>, transform_indices = @transform_4, window_bounds = array<i64: 4, 1024>}, {pipeline_mode = #tpu.pipeline_mode<synchronous>, transform_indices = @transform_5, window_bounds = array<i64: 1024, 128>}, {pipeline_mode = #tpu.pipeline_mode<synchronous>, transform_indices = @transform_6, window_bounds = array<i64: 1024, 128>}, {pipeline_mode = #tpu.pipeline_mode<synchronous>, transform_indices = @transform_7, window_bounds = array<i64: 128, 1024>}, {pipeline_mode = #tpu.pipeline_mode<synchronous>, transform_indices = @transform_8, window_bounds = array<i64: 1, 1024>}, {transform_indices = @transform_9, window_bounds = array<i64: 512, 1024>}, {transform_indices = @transform_10, window_bounds = array<i64: 512, 8>}, {transform_indices = @transform_11, window_bounds = array<i64: 512, 1024>}, {transform_indices = @transform_12, window_bounds = array<i64: 512, 1>}, {transform_indices = @transform_13, window_bounds = array<i64: 512, 1>}, {transform_indices = @transform_14, window_bounds = array<i64: 512, 1>}, {transform_indices = @transform_15, window_bounds = array<i64: 512, 1>}]} {
    %get3A = arith.constant 0 : index
    %get3A_0 = arith.constant 0 : index
    %get3A_1 = vector.load %arg2[%get3A, %get3A_0] : memref<512x1024xf32, #tpu.memory_space<vmem>>, vector<512x1024xf32>
    %convert_element_type3A = arith.truncf %get3A_1 : vector<512x1024xf32> to vector<512x1024xbf16>
    %get3A_2 = arith.constant 0 : index
    %get3A_3 = arith.constant 0 : index
    %get3A_4 = vector.load %arg3[%get3A_2, %get3A_3] : memref<1024x1024xbf16, #tpu.memory_space<vmem>>, vector<1024x1024xbf16>
    %dot_general3A = arith.constant dense<0.000000e+00> : vector<512x1024xf32>
    %dot_general3A_5 = tpu.matmul %convert_element_type3A, %get3A_4, %dot_general3A {dimension_numbers = #tpu.dot_dimension_numbers<[1], [0], [0], [1], [0, 0, 1, 1], [], []>, transpose_lhs_hint = false} : vector<512x1024xbf16>, vector<1024x1024xbf16>, vector<512x1024xf32> -> vector<512x1024xf32>
    %get3A_6 = arith.constant 0 : index
    %get3A_7 = arith.constant 0 : index
    %get3A_8 = vector.load %arg4[%get3A_6, %get3A_7] : memref<1x1024xf32, #tpu.memory_space<vmem>>, vector<1x1024xf32>
    %add3A = vector.broadcast %get3A_8 : vector<1x1024xf32> to vector<512x1024xf32>
    %add3A_9 = arith.addf %dot_general3A_5, %add3A : vector<512x1024xf32>
    %get3A_10 = arith.constant 0 : index
    %get3A_11 = arith.constant 0 : index
    %get3A_12 = vector.load %arg1[%get3A_10, %get3A_11] : memref<512x1xi32, #tpu.memory_space<vmem>>, vector<512x1xi32>
    %broadcast_in_dim3A = arith.constant 0.000000e+00 : f32
    %broadcast_in_dim3A_13 = vector.broadcast %broadcast_in_dim3A : f32 to vector<512x1024xf32>
    %eq3A = arith.constant 0 : i32
    %eq3A_14 = vector.broadcast %eq3A : i32 to vector<512x1xi32>
    %eq3A_15 = arith.cmpi eq, %get3A_12, %eq3A_14 : vector<512x1xi32>
    %jit3A = arith.constant 1.000000e+00 : f32
    %jit3A_16 = arith.constant 0.000000e+00 : f32
    %broadcast_in_dim3A_17 = vector.broadcast %jit3A : f32 to vector<512x1xf32>
    %broadcast_in_dim3A_18 = vector.broadcast %jit3A_16 : f32 to vector<512x1xf32>
    %select_n3A = arith.select %eq3A_15, %broadcast_in_dim3A_17, %broadcast_in_dim3A_18 : vector<512x1xi1>, vector<512x1xf32>
    %get3A_19 = arith.constant 0 : index
    %get3A_20 = arith.constant 0 : index
    %get3A_21 = vector.load %arg5[%get3A_19, %get3A_20] : memref<4x1024xf32, #tpu.memory_space<vmem>>, vector<1x1024xf32>
    %mul3A = vector.broadcast %select_n3A : vector<512x1xf32> to vector<512x1024xf32>
    %mul3A_22 = vector.broadcast %get3A_21 : vector<1x1024xf32> to vector<512x1024xf32>
    %mul3A_23 = arith.mulf %mul3A, %mul3A_22 : vector<512x1024xf32>
    %add3A_24 = arith.addf %broadcast_in_dim3A_13, %mul3A_23 : vector<512x1024xf32>
    %eq3A_25 = arith.constant 1 : i32
    %eq3A_26 = vector.broadcast %eq3A_25 : i32 to vector<512x1xi32>
    %eq3A_27 = arith.cmpi eq, %get3A_12, %eq3A_26 : vector<512x1xi32>
    %jit3A_28 = arith.constant 1.000000e+00 : f32
    %jit3A_29 = arith.constant 0.000000e+00 : f32
    %broadcast_in_dim3A_30 = vector.broadcast %jit3A_28 : f32 to vector<512x1xf32>
    %broadcast_in_dim3A_31 = vector.broadcast %jit3A_29 : f32 to vector<512x1xf32>
    %select_n3A_32 = arith.select %eq3A_27, %broadcast_in_dim3A_30, %broadcast_in_dim3A_31 : vector<512x1xi1>, vector<512x1xf32>
    %get3A_33 = arith.constant 1 : index
    %get3A_34 = arith.constant 0 : index
    %get3A_35 = vector.load %arg5[%get3A_33, %get3A_34] : memref<4x1024xf32, #tpu.memory_space<vmem>>, vector<1x1024xf32>
    %mul3A_36 = vector.broadcast %select_n3A_32 : vector<512x1xf32> to vector<512x1024xf32>
    %mul3A_37 = vector.broadcast %get3A_35 : vector<1x1024xf32> to vector<512x1024xf32>
    %mul3A_38 = arith.mulf %mul3A_36, %mul3A_37 : vector<512x1024xf32>
    %add3A_39 = arith.addf %add3A_24, %mul3A_38 : vector<512x1024xf32>
    %eq3A_40 = arith.constant 2 : i32
    %eq3A_41 = vector.broadcast %eq3A_40 : i32 to vector<512x1xi32>
    %eq3A_42 = arith.cmpi eq, %get3A_12, %eq3A_41 : vector<512x1xi32>
    %jit3A_43 = arith.constant 1.000000e+00 : f32
    %jit3A_44 = arith.constant 0.000000e+00 : f32
    %broadcast_in_dim3A_45 = vector.broadcast %jit3A_43 : f32 to vector<512x1xf32>
    %broadcast_in_dim3A_46 = vector.broadcast %jit3A_44 : f32 to vector<512x1xf32>
    %select_n3A_47 = arith.select %eq3A_42, %broadcast_in_dim3A_45, %broadcast_in_dim3A_46 : vector<512x1xi1>, vector<512x1xf32>
    %get3A_48 = arith.constant 2 : index
    %get3A_49 = arith.constant 0 : index
    %get3A_50 = vector.load %arg5[%get3A_48, %get3A_49] : memref<4x1024xf32, #tpu.memory_space<vmem>>, vector<1x1024xf32>
    %mul3A_51 = vector.broadcast %select_n3A_47 : vector<512x1xf32> to vector<512x1024xf32>
    %mul3A_52 = vector.broadcast %get3A_50 : vector<1x1024xf32> to vector<512x1024xf32>
    %mul3A_53 = arith.mulf %mul3A_51, %mul3A_52 : vector<512x1024xf32>
    %add3A_54 = arith.addf %add3A_39, %mul3A_53 : vector<512x1024xf32>
    %eq3A_55 = arith.constant 3 : i32
    %eq3A_56 = vector.broadcast %eq3A_55 : i32 to vector<512x1xi32>
    %eq3A_57 = arith.cmpi eq, %get3A_12, %eq3A_56 : vector<512x1xi32>
    %jit3A_58 = arith.constant 1.000000e+00 : f32
    %jit3A_59 = arith.constant 0.000000e+00 : f32
    %broadcast_in_dim3A_60 = vector.broadcast %jit3A_58 : f32 to vector<512x1xf32>
    %broadcast_in_dim3A_61 = vector.broadcast %jit3A_59 : f32 to vector<512x1xf32>
    %select_n3A_62 = arith.select %eq3A_57, %broadcast_in_dim3A_60, %broadcast_in_dim3A_61 : vector<512x1xi1>, vector<512x1xf32>
    %get3A_63 = arith.constant 3 : index
    %get3A_64 = arith.constant 0 : index
    %get3A_65 = vector.load %arg5[%get3A_63, %get3A_64] : memref<4x1024xf32, #tpu.memory_space<vmem>>, vector<1x1024xf32>
    %mul3A_66 = vector.broadcast %select_n3A_62 : vector<512x1xf32> to vector<512x1024xf32>
    %mul3A_67 = vector.broadcast %get3A_65 : vector<1x1024xf32> to vector<512x1024xf32>
    %mul3A_68 = arith.mulf %mul3A_66, %mul3A_67 : vector<512x1024xf32>
    %add3A_69 = arith.addf %add3A_54, %mul3A_68 : vector<512x1024xf32>
    %mul3A_70 = arith.mulf %add3A_9, %add3A_69 : vector<512x1024xf32>
    %convert_element_type3A_71 = arith.truncf %mul3A_70 : vector<512x1024xf32> to vector<512x1024xbf16>
    %swap3A = arith.constant 0 : index
    %swap3A_72 = arith.constant 0 : index
    %swap3A_73 = vector.load %arg10[%swap3A, %swap3A_72] : memref<512x1024xbf16, #tpu.memory_space<vmem>>, vector<512x1024xbf16>
    tpu.vector_store %arg10[%swap3A, %swap3A_72], %convert_element_type3A_71 {strides = array<i32>} : memref<512x1024xbf16, #tpu.memory_space<vmem>>, vector<512x1024xbf16>,
    %get3A_74 = arith.constant 0 : index
    %get3A_75 = arith.constant 0 : index
    %get3A_76 = vector.load %arg6[%get3A_74, %get3A_75] : memref<1024x128xbf16, #tpu.memory_space<vmem>>, vector<1024x128xbf16>
    %dot_general3A_77 = arith.constant dense<0.000000e+00> : vector<512x128xf32>
    %dot_general3A_78 = tpu.matmul %convert_element_type3A_71, %get3A_76, %dot_general3A_77 {dimension_numbers = #tpu.dot_dimension_numbers<[1], [0], [0], [1], [0, 0, 1, 1], [], []>, transpose_lhs_hint = false} : vector<512x1024xbf16>, vector<1024x128xbf16>, vector<512x128xf32> -> vector<512x128xf32>
    %iota3A = tpu.iota {dimensions = array<i32: 1>} : vector<512x128xi32>
    %lt3A = arith.constant 8 : i32
    %lt3A_79 = vector.broadcast %lt3A : i32 to vector<512x128xi32>
    %lt3A_80 = arith.cmpi slt, %iota3A, %lt3A_79 : vector<512x128xi32>
    %jit3A_81 = arith.constant -1.000000e+30 : f32
    %broadcast_in_dim3A_82 = vector.broadcast %jit3A_81 : f32 to vector<512x128xf32>
    %select_n3A_83 = arith.select %lt3A_80, %dot_general3A_78, %broadcast_in_dim3A_82 : vector<512x128xi1>, vector<512x128xf32>
    %reduce_max3A = arith.constant dense<0xFF800000> : vector<512xf32>
    %reduce_max3A_84 = vector.multi_reduction <maximumf>, %select_n3A_83, %reduce_max3A [1] : vector<512x128xf32> to vector<512xf32>
    %broadcast_in_dim3A_85 = vector.shape_cast %reduce_max3A_84 : vector<512xf32> to vector<512x1xf32>
    %sub3A = vector.broadcast %broadcast_in_dim3A_85 : vector<512x1xf32> to vector<512x128xf32>
    %sub3A_86 = arith.subf %select_n3A_83, %sub3A : vector<512x128xf32>
    %exp3A = math.exp %sub3A_86 : vector<512x128xf32>
    %jit3A_87 = arith.constant 0.000000e+00 : f32
    %broadcast_in_dim3A_88 = vector.broadcast %jit3A_87 : f32 to vector<512x128xf32>
    %select_n3A_89 = arith.select %lt3A_80, %exp3A, %broadcast_in_dim3A_88 : vector<512x128xi1>, vector<512x128xf32>
    %reduce_sum3A = arith.constant dense<0.000000e+00> : vector<512xf32>
    %reduce_sum3A_90 = vector.multi_reduction <add>, %select_n3A_89, %reduce_sum3A [1] : vector<512x128xf32> to vector<512xf32>
    %broadcast_in_dim3A_91 = vector.shape_cast %reduce_sum3A_90 : vector<512xf32> to vector<512x1xf32>
    %div3A = vector.broadcast %broadcast_in_dim3A_91 : vector<512x1xf32> to vector<512x128xf32>
    %div3A_92 = arith.divf %select_n3A_89, %div3A : vector<512x128xf32>
    %slice3A = vector.extract_strided_slice %div3A_92 {offsets = [0, 0], sizes = [512, 8], strides = [1, 1]} : vector<512x128xf32> to vector<512x8xf32>
    %swap3A_93 = arith.constant 0 : index
    %swap3A_94 = arith.constant 0 : index
    %swap3A_95 = vector.load %arg11[%swap3A_93, %swap3A_94] : memref<512x8xf32, #tpu.memory_space<vmem>>, vector<512x8xf32>
    tpu.vector_store %arg11[%swap3A_93, %swap3A_94], %slice3A {strides = array<i32>} : memref<512x8xf32, #tpu.memory_space<vmem>>, vector<512x8xf32>,
    %reduce_max3A_96 = arith.constant dense<0xFF800000> : vector<512xf32>
    %reduce_max3A_97 = vector.multi_reduction <maximumf>, %div3A_92, %reduce_max3A_96 [1] : vector<512x128xf32> to vector<512xf32>
    %broadcast_in_dim3A_98 = vector.shape_cast %reduce_max3A_97 : vector<512xf32> to vector<512x1xf32>
    %eq3A_99 = vector.broadcast %broadcast_in_dim3A_98 : vector<512x1xf32> to vector<512x128xf32>
    %eq3A_100 = arith.cmpf oeq, %div3A_92, %eq3A_99 : vector<512x128xf32>
    %jit3A_101 = arith.constant 128 : i32
    %broadcast_in_dim3A_102 = vector.broadcast %jit3A_101 : i32 to vector<512x128xi32>
    %select_n3A_103 = arith.select %eq3A_100, %iota3A, %broadcast_in_dim3A_102 : vector<512x128xi1>, vector<512x128xi32>
    %reduce_min3A = arith.constant dense<2147483647> : vector<512xi32>
    %reduce_min3A_104 = vector.multi_reduction <minsi>, %select_n3A_103, %reduce_min3A [1] : vector<512x128xi32> to vector<512xi32>
    %broadcast_in_dim3A_105 = vector.shape_cast %reduce_min3A_104 : vector<512xi32> to vector<512x1xi32>
    %eq3A_106 = vector.broadcast %broadcast_in_dim3A_105 : vector<512x1xi32> to vector<512x128xi32>
    %eq3A_107 = arith.cmpi eq, %iota3A, %eq3A_106 : vector<512x128xi32>
    %jit3A_108 = arith.constant -1.000000e+00 : f32
    %broadcast_in_dim3A_109 = vector.broadcast %jit3A_108 : f32 to vector<512x128xf32>
    %select_n3A_110 = arith.select %eq3A_107, %broadcast_in_dim3A_109, %div3A_92 : vector<512x128xi1>, vector<512x128xf32>
    %reduce_max3A_111 = arith.constant dense<0xFF800000> : vector<512xf32>
    %reduce_max3A_112 = vector.multi_reduction <maximumf>, %select_n3A_110, %reduce_max3A_111 [1] : vector<512x128xf32> to vector<512xf32>
    %broadcast_in_dim3A_113 = vector.shape_cast %reduce_max3A_112 : vector<512xf32> to vector<512x1xf32>
    %eq3A_114 = vector.broadcast %broadcast_in_dim3A_113 : vector<512x1xf32> to vector<512x128xf32>
    %eq3A_115 = arith.cmpf oeq, %select_n3A_110, %eq3A_114 : vector<512x128xf32>
    %jit3A_116 = arith.constant 128 : i32
    %broadcast_in_dim3A_117 = vector.broadcast %jit3A_116 : i32 to vector<512x128xi32>
    %select_n3A_118 = arith.select %eq3A_115, %iota3A, %broadcast_in_dim3A_117 : vector<512x128xi1>, vector<512x128xi32>
    %reduce_min3A_119 = arith.constant dense<2147483647> : vector<512xi32>
    %reduce_min3A_120 = vector.multi_reduction <minsi>, %select_n3A_118, %reduce_min3A_119 [1] : vector<512x128xi32> to vector<512xi32>
    %broadcast_in_dim3A_121 = vector.shape_cast %reduce_min3A_120 : vector<512xi32> to vector<512x1xi32>
    %add3A_122 = arith.addf %broadcast_in_dim3A_98, %broadcast_in_dim3A_113 : vector<512x1xf32>
    %add3A_123 = arith.constant 9.99999971E-10 : f32
    %add3A_124 = vector.broadcast %add3A_123 : f32 to vector<512x1xf32>
    %add3A_125 = arith.addf %add3A_122, %add3A_124 : vector<512x1xf32>
    %swap3A_126 = arith.constant 0 : index
    %swap3A_127 = arith.constant 0 : index
    %swap3A_128 = vector.load %arg13[%swap3A_126, %swap3A_127] : memref<512x1xi32, #tpu.memory_space<vmem>>, vector<512x1xi32>
    tpu.vector_store %arg13[%swap3A_126, %swap3A_127], %broadcast_in_dim3A_105 {strides = array<i32>} : memref<512x1xi32, #tpu.memory_space<vmem>>, vector<512x1xi32>,
    %swap3A_129 = arith.constant 0 : index
    %swap3A_130 = arith.constant 0 : index
    %swap3A_131 = vector.load %arg14[%swap3A_129, %swap3A_130] : memref<512x1xi32, #tpu.memory_space<vmem>>, vector<512x1xi32>
    tpu.vector_store %arg14[%swap3A_129, %swap3A_130], %broadcast_in_dim3A_121 {strides = array<i32>} : memref<512x1xi32, #tpu.memory_space<vmem>>, vector<512x1xi32>,
    %div3A_132 = arith.divf %broadcast_in_dim3A_98, %add3A_125 : vector<512x1xf32>
    %swap3A_133 = arith.constant 0 : index
    %swap3A_134 = arith.constant 0 : index
    %swap3A_135 = vector.load %arg15[%swap3A_133, %swap3A_134] : memref<512x1xf32, #tpu.memory_space<vmem>>, vector<512x1xf32>
    tpu.vector_store %arg15[%swap3A_133, %swap3A_134], %div3A_132 {strides = array<i32>} : memref<512x1xf32, #tpu.memory_space<vmem>>, vector<512x1xf32>,
    %div3A_136 = arith.divf %broadcast_in_dim3A_113, %add3A_125 : vector<512x1xf32>
    %swap3A_137 = arith.constant 0 : index
    %swap3A_138 = arith.constant 0 : index
    %swap3A_139 = vector.load %arg16[%swap3A_137, %swap3A_138] : memref<512x1xf32, #tpu.memory_space<vmem>>, vector<512x1xf32>
    tpu.vector_store %arg16[%swap3A_137, %swap3A_138], %div3A_136 {strides = array<i32>} : memref<512x1xf32, #tpu.memory_space<vmem>>, vector<512x1xf32>,
    %get3A_140 = arith.constant 0 : index
    %get3A_141 = arith.constant 0 : index
    %get3A_142 = vector.load %arg7[%get3A_140, %get3A_141] : memref<1024x128xbf16, #tpu.memory_space<vmem>>, vector<1024x128xbf16>
    %dot_general3A_143 = arith.constant dense<0.000000e+00> : vector<512x128xf32>
    %dot_general3A_144 = tpu.matmul %convert_element_type3A_71, %get3A_142, %dot_general3A_143 {dimension_numbers = #tpu.dot_dimension_numbers<[1], [0], [0], [1], [0, 0, 1, 1], [], []>, transpose_lhs_hint = false} : vector<512x1024xbf16>, vector<1024x128xbf16>, vector<512x128xf32> -> vector<512x128xf32>
    %tanh3A = math.tanh %dot_general3A_144 : vector<512x128xf32>
    %convert_element_type3A_145 = arith.truncf %tanh3A : vector<512x128xf32> to vector<512x128xbf16>
    %get3A_146 = arith.constant 0 : index
    %get3A_147 = arith.constant 0 : index
    %get3A_148 = vector.load %arg8[%get3A_146, %get3A_147] : memref<128x1024xbf16, #tpu.memory_space<vmem>>, vector<128x1024xbf16>
    %dot_general3A_149 = arith.constant dense<0.000000e+00> : vector<512x1024xf32>
    %dot_general3A_150 = tpu.matmul %convert_element_type3A_145, %get3A_148, %dot_general3A_149 {dimension_numbers = #tpu.dot_dimension_numbers<[1], [0], [0], [1], [0, 0, 1, 1], [], []>, transpose_lhs_hint = false} : vector<512x128xbf16>, vector<128x1024xbf16>, vector<512x1024xf32> -> vector<512x1024xf32>
    %get3A_151 = arith.constant 0 : index
    %get3A_152 = arith.constant 0 : index
    %get3A_153 = vector.load %arg9[%get3A_151, %get3A_152] : memref<1x1024xf32, #tpu.memory_space<vmem>>, vector<1x1024xf32>
    %add3A_154 = vector.broadcast %get3A_153 : vector<1x1024xf32> to vector<512x1024xf32>
    %add3A_155 = arith.addf %dot_general3A_150, %add3A_154 : vector<512x1024xf32>
    %swap3A_156 = arith.constant 0 : index
    %swap3A_157 = arith.constant 0 : index
    %swap3A_158 = vector.load %arg12[%swap3A_156, %swap3A_157] : memref<512x1024xf32, #tpu.memory_space<vmem>>, vector<512x1024xf32>
    tpu.vector_store %arg12[%swap3A_156, %swap3A_157], %add3A_155 {strides = array<i32>} : memref<512x1024xf32, #tpu.memory_space<vmem>>, vector<512x1024xf32>,
    return
  }
  func.func @transform_0(%arg0: i32) -> (i32, i32) {
    %c0_i32 = arith.constant 0 : i32
    %c0_i32_0 = arith.constant 0 : i32
    return %arg0, %c0_i32 : i32, i32
  }
  func.func @transform_1(%arg0: i32) -> (i32, i32) {
    %c0_i32 = arith.constant 0 : i32
    %c0_i32_0 = arith.constant 0 : i32
    return %arg0, %c0_i32 : i32, i32
  }
  func.func @transform_2(%arg0: i32) -> (i32, i32) {
    %c0_i32 = arith.constant 0 : i32
    %c0_i32_0 = arith.constant 0 : i32
    %c0_i32_1 = arith.constant 0 : i32
    return %c0_i32, %c0_i32_0 : i32, i32
  }
  func.func @transform_3(%arg0: i32) -> (i32, i32) {
    %c0_i32 = arith.constant 0 : i32
    %c0_i32_0 = arith.constant 0 : i32
    %c0_i32_1 = arith.constant 0 : i32
    return %c0_i32, %c0_i32_0 : i32, i32
  }
  func.func @transform_4(%arg0: i32) -> (i32, i32) {
    %c0_i32 = arith.constant 0 : i32
    %c0_i32_0 = arith.constant 0 : i32
    %c0_i32_1 = arith.constant 0 : i32
    return %c0_i32, %c0_i32_0 : i32, i32
  }
  func.func @transform_5(%arg0: i32) -> (i32, i32) {
    %c0_i32 = arith.constant 0 : i32
    %c0_i32_0 = arith.constant 0 : i32
    %c0_i32_1 = arith.constant 0 : i32
    return %c0_i32, %c0_i32_0 : i32, i32
  }
  func.func @transform_6(%arg0: i32) -> (i32, i32) {
    %c0_i32 = arith.constant 0 : i32
    %c0_i32_0 = arith.constant 0 : i32
    %c0_i32_1 = arith.constant 0 : i32
    return %c0_i32, %c0_i32_0 : i32, i32
  }
  func.func @transform_7(%arg0: i32) -> (i32, i32) {
    %c0_i32 = arith.constant 0 : i32
    %c0_i32_0 = arith.constant 0 : i32
    %c0_i32_1 = arith.constant 0 : i32
    return %c0_i32, %c0_i32_0 : i32, i32
  }
  func.func @transform_8(%arg0: i32) -> (i32, i32) {
    %c0_i32 = arith.constant 0 : i32
    %c0_i32_0 = arith.constant 0 : i32
    %c0_i32_1 = arith.constant 0 : i32
    return %c0_i32, %c0_i32_0 : i32, i32
  }
  func.func @transform_9(%arg0: i32) -> (i32, i32) {
    %c0_i32 = arith.constant 0 : i32
    %c0_i32_0 = arith.constant 0 : i32
    return %arg0, %c0_i32 : i32, i32
  }
  func.func @transform_10(%arg0: i32) -> (i32, i32) {
    %c0_i32 = arith.constant 0 : i32
    %c0_i32_0 = arith.constant 0 : i32
    return %arg0, %c0_i32 : i32, i32
  }
  func.func @transform_11(%arg0: i32) -> (i32, i32) {
    %c0_i32 = arith.constant 0 : i32
    %c0_i32_0 = arith.constant 0 : i32
    return %arg0, %c0_i32 : i32, i32
  }
  func.func @transform_12(%arg0: i32) -> (i32, i32) {
    %c0_i32 = arith.constant 0 : i32
    %c0_i32_0 = arith.constant 0 : i32
    return %arg0, %c0_i32 : i32, i32
  }
  func.func @transform_13(%arg0: i32) -> (i32, i32) {
    %c0_i32 = arith.constant 0 : i32
    %c0_i32_0 = arith.constant 0 : i32
    return %arg0, %c0_i32 : i32, i32
  }
  func.func @transform_14(%arg0: i32) -> (i32, i32) {
    %c0_i32 = arith.constant 0 : i32
    %c0_i32_0 = arith.constant 0 : i32
    return %arg0, %c0_i32 : i32, i32
  }
  func.func @transform_15(%arg0: i32) -> (i32, i32) {
    %c0_i32 = arith.constant 0 : i32
    %c0_i32_0 = arith.constant 0 : i32
    return %arg0, %c0_i32 : i32, i32
  }
}

module attributes {stable_mosaic.version = 14 : i64} {
  func.func @_ffn_body(%arg0: i32, %arg1: memref<40xi32, #tpu.memory_space<smem>>, %arg2: memref<256x1024xbf16, #tpu.memory_space<vmem>>, %arg3: memref<1x1024x2048xbf16, #tpu.memory_space<vmem>>, %arg4: memref<1x2048x1024xbf16, #tpu.memory_space<vmem>>, %arg5: memref<256x1024xf32, #tpu.memory_space<vmem>>) attributes {dimension_semantics = [#tpu.dimension_semantics<arbitrary>], iteration_bounds = array<i64: 40>, scalar_prefetch = 1 : i64, scratch_operands = 0 : i64, tpu.core_type = #tpu.core_type<tc>, window_params = [{transform_indices = @transform_0, window_bounds = array<i64: 256, 1024>}, {transform_indices = @transform_1, window_bounds = array<i64: 1, 1024, 2048>}, {transform_indices = @transform_2, window_bounds = array<i64: 1, 2048, 1024>}, {transform_indices = @transform_3, window_bounds = array<i64: 256, 1024>}]} {
    %get3A = arith.constant 0 : index
    %get3A_0 = arith.constant 0 : index
    %get3A_1 = vector.load %arg2[%get3A, %get3A_0] : memref<256x1024xbf16, #tpu.memory_space<vmem>>, vector<256x1024xbf16>
    %get3A_2 = arith.constant 0 : index
    %get3A_3 = arith.constant 0 : index
    %get3A_4 = arith.constant 0 : index
    %get3A_5 = vector.load %arg3[%get3A_2, %get3A_3, %get3A_4] : memref<1x1024x2048xbf16, #tpu.memory_space<vmem>>, vector<1x1024x2048xbf16>
    %get3A_6 = vector.shape_cast %get3A_5 : vector<1x1024x2048xbf16> to vector<1024x2048xbf16>
    %dot_general3A = arith.constant dense<0.000000e+00> : vector<256x2048xf32>
    %dot_general3A_7 = tpu.matmul %get3A_1, %get3A_6, %dot_general3A {dimension_numbers = #tpu.dot_dimension_numbers<[1], [0], [0], [1], [0, 0, 1, 1], [], []>, transpose_lhs_hint = false} : vector<256x1024xbf16>, vector<1024x2048xbf16>, vector<256x2048xf32> -> vector<256x2048xf32>
    %integer_pow3A = arith.mulf %dot_general3A_7, %dot_general3A_7 : vector<256x2048xf32>
    %integer_pow3A_8 = arith.mulf %dot_general3A_7, %integer_pow3A : vector<256x2048xf32>
    %mul3A = arith.constant 4.471500e-02 : f32
    %mul3A_9 = vector.broadcast %mul3A : f32 to vector<256x2048xf32>
    %mul3A_10 = arith.mulf %mul3A_9, %integer_pow3A_8 : vector<256x2048xf32>
    %add3A = arith.addf %dot_general3A_7, %mul3A_10 : vector<256x2048xf32>
    %mul3A_11 = arith.constant 0.797884583 : f32
    %mul3A_12 = vector.broadcast %mul3A_11 : f32 to vector<256x2048xf32>
    %mul3A_13 = arith.mulf %mul3A_12, %add3A : vector<256x2048xf32>
    %tanh3A = math.tanh %mul3A_13 : vector<256x2048xf32>
    %add3A_14 = arith.constant 1.000000e+00 : f32
    %add3A_15 = vector.broadcast %add3A_14 : f32 to vector<256x2048xf32>
    %add3A_16 = arith.addf %add3A_15, %tanh3A : vector<256x2048xf32>
    %mul3A_17 = arith.constant 5.000000e-01 : f32
    %mul3A_18 = vector.broadcast %mul3A_17 : f32 to vector<256x2048xf32>
    %mul3A_19 = arith.mulf %mul3A_18, %add3A_16 : vector<256x2048xf32>
    %mul3A_20 = arith.mulf %dot_general3A_7, %mul3A_19 : vector<256x2048xf32>
    %convert_element_type3A = arith.truncf %mul3A_20 : vector<256x2048xf32> to vector<256x2048xbf16>
    %get3A_21 = arith.constant 0 : index
    %get3A_22 = arith.constant 0 : index
    %get3A_23 = arith.constant 0 : index
    %get3A_24 = vector.load %arg4[%get3A_21, %get3A_22, %get3A_23] : memref<1x2048x1024xbf16, #tpu.memory_space<vmem>>, vector<1x2048x1024xbf16>
    %get3A_25 = vector.shape_cast %get3A_24 : vector<1x2048x1024xbf16> to vector<2048x1024xbf16>
    %dot_general3A_26 = arith.constant dense<0.000000e+00> : vector<256x1024xf32>
    %dot_general3A_27 = tpu.matmul %convert_element_type3A, %get3A_25, %dot_general3A_26 {dimension_numbers = #tpu.dot_dimension_numbers<[1], [0], [0], [1], [0, 0, 1, 1], [], []>, transpose_lhs_hint = false} : vector<256x2048xbf16>, vector<2048x1024xbf16>, vector<256x1024xf32> -> vector<256x1024xf32>
    %swap3A = arith.constant 0 : index
    %swap3A_28 = arith.constant 0 : index
    %swap3A_29 = vector.load %arg5[%swap3A, %swap3A_28] : memref<256x1024xf32, #tpu.memory_space<vmem>>, vector<256x1024xf32>
    tpu.vector_store %arg5[%swap3A, %swap3A_28], %dot_general3A_27 {strides = array<i32>} : memref<256x1024xf32, #tpu.memory_space<vmem>>, vector<256x1024xf32>,
    return
  }
  func.func @transform_0(%arg0: i32, %arg1: memref<40xi32, #tpu.memory_space<smem>>) -> (i32, i32) {
    %c0_i32 = arith.constant 0 : i32
    %c0_i32_0 = arith.constant 0 : i32
    return %arg0, %c0_i32 : i32, i32
  }
  func.func @transform_1(%arg0: i32, %arg1: memref<40xi32, #tpu.memory_space<smem>>) -> (i32, i32, i32) {
    %get3A = arith.index_cast %arg0 : i32 to index
    %get3A_0 = memref.load %arg1[%get3A] : memref<40xi32, #tpu.memory_space<smem>>
    %c0_i32 = arith.constant 0 : i32
    %c0_i32_1 = arith.constant 0 : i32
    %c0_i32_2 = arith.constant 0 : i32
    return %get3A_0, %c0_i32, %c0_i32_1 : i32, i32, i32
  }
  func.func @transform_2(%arg0: i32, %arg1: memref<40xi32, #tpu.memory_space<smem>>) -> (i32, i32, i32) {
    %get3A = arith.index_cast %arg0 : i32 to index
    %get3A_0 = memref.load %arg1[%get3A] : memref<40xi32, #tpu.memory_space<smem>>
    %c0_i32 = arith.constant 0 : i32
    %c0_i32_1 = arith.constant 0 : i32
    %c0_i32_2 = arith.constant 0 : i32
    return %get3A_0, %c0_i32, %c0_i32_1 : i32, i32, i32
  }
  func.func @transform_3(%arg0: i32, %arg1: memref<40xi32, #tpu.memory_space<smem>>) -> (i32, i32) {
    %c0_i32 = arith.constant 0 : i32
    %c0_i32_0 = arith.constant 0 : i32
    return %arg0, %c0_i32 : i32, i32
  }
}

</mosaic_0001>

<sc_bundles>
// kernel: gather_offload_async_start.1
scs
__scs_entry_jumppad:
0x0: {  	(pc) =	sbr.rel $0x88, $3  }
0x1: {  	(tag) =	ssettag $0x0;
	lr =	simm.s32 $0x1  }
0x2: {  	[smem:$0x3F96] =	sst lr;
	_ =	strace $0xD0000000  }
0x3: {  	_ = 	snop  }
0x4: {  	_ = 	snop  }
0x5: {  	_ = 	snop  }
0x6: {  	_ = 	snop  }
0x7: {  	_ = 	snop  }
__scs_overlays_trampoline_lowered:
0x8: {  	[smem:$0x3FA5] =	sst s0  }
0x9: {  	[smem:$0x3FA6] =	sst s1  }
0xa: {  	[smem:$0x3FA7] =	sst s2  }
0xb: {  	[smem:$0x3FA8] =	sst s3  }
0xc: {  	[smem:$0x3FA9] =	sst s4  }
0xd: {  	[smem:$0x3FAA] =	sst s5  }
0xe: {  	[smem:$0x3FAB] =	sst s6  }
0xf: {  	[smem:$0x3FAC] =	sst s7  }
0x10: {  	[smem:$0x3FAD] =	sst s8  }
0x11: {  	[smem:$0x3FAE] =	sst s9;
	s0 =	simm.s32 @!p0 $0x0  }
0x12: {  	s1 =	sld [smem:$0x3F94];
	s0 =	simm.s32 @p0 $0x1  }
0x13: {  	[smem:$0x3FAF] =	sst s0;
	s0 =	simm.s32 @!p1 $0x0  }
0x14: {  	s2 =	sld [smem:$0x3F93];
	s0 =	simm.s32 @p1 $0x1  }
0x15: {  	[smem:$0x3FB0] =	sst s0;
	s0 =	simm.s32 @!p2 $0x0  }
0x16: {  	s3 =	sld [smem:$0x3FDB];
	s0 =	simm.s32 @p2 $0x1  }
0x17: {  	s4 =	simm.s32 $0x1BF5;
	[smem:$0x3FB2] =	sst s0  }
0x18: {  	s0 =	sld [smem:$0x3F95];
	_ =	swait.ge [sflag:s4], $0x0  }
0x19: {  	s7 =	sld [smem:$0x3F96]  }
0x1a: {  	s8 =	sadd.s32 $0xFFFFE003, lr  }
0x1b: {  	s9 =	sadd.s32 $0xFFFFFEF7, lr;
	s5 =	simm.s32 $0xFFFFFFFF;
	p2 =	slt.u32 s8, $0xFFFFF086  }
0x1c: {  	p1 =	slt.u32 s9, $0xF7A;
	s5 =	simm.s32 @!p2 $0x0  }
0x1d: {  	s5 =	simm.s32 @p1 $0x1;
	p0 =	seq.s32 s7, s2  }
0x1e: {  	s7 =	smul.u32 @!p0 $0xF7A, s2;
	p2 =	seq.s32 @!p0 s5, $0x0  }
0x1f: {  	s9 =	smul.u32 $0xF7A, s1;
	s8 =	simm.s32 @!p0 $0x1BF5;
	p2 =	por !p2, p0  }
0x20: {  	[sflag:s8] =	ssyncset.s32 @!p0 $0xFFFFF086;
	s6 =	sadd.s32 @!p0 s3, s7;
	s7 =	simm.s32 @!p0 $0x108  }
0x21: {  	s3 =	sadd.s32 s3, s9;
	s6 =	sadd.s32 @!p0 $0x88, s6;
	s7 =	simm.s32 @p2 $0x1082  }
0x22: {  	[simem:s7], [sflag:s8] =	dma.local @!p0 [hbm:s6], $0xF7A  }
0x23: {  	s9 =	sor.u32 $0xD0000000, s2;
	s6 =	simm.s32 $0x108;
	_ =	swait.ge @!p0 [sflag:s8], $0x0  }
0x24: {  	s3 =	sadd.s32 $0x88, s3;
	s6 =	simm.s32 @!p1 $0x1082;
	[sflag:s4] =	ssyncset.s32 $0xFFFFF086  }
0x25: {  	[simem:s6], [sflag:s4] =	dma.local [hbm:s3], $0xF7A  }
0x26: {  	[smem:$0x3F96] =	sst s1;
	(tag) =	ssettag s2;
	_ =	strace s9  }
0x27: {  	s1 =	sld [smem:$0x3FA6]  }
0x28: {  	s2 =	sld [smem:$0x3FA7]  }
0x29: {  	s4 =	sld [smem:$0x3FA9]  }
0x2a: {  	p0 =	seq.s32 s5, $0x0;
	s5 =	sld [smem:$0x3FAA]  }
0x2b: {  	s6 =	sld [smem:$0x3FAB]  }
0x2c: {  	s7 =	sld [smem:$0x3FAC]  }
0x2d: {  	s3 =	simm.s32 $0x108;
	s8 =	sld [smem:$0x3FAD]  }
0x2e: {  	s3 =	simm.s32 @!p0 $0x1082;
	s9 =	sld [smem:$0x3FAE]  }
0x2f: {  	lr =	sadd.s32 s0, s3;
	s0 =	sld [smem:$0x3FA5]  }
0x30: {  	s3 =	sld [smem:$0x3FA8]  }
0x31: {  	[smem:$0x3FB1] =	sst s10  }
0x32: {  	s10 =	sld [smem:$0x3FAF];
	_ =	sdelay $0x3  }
0x33: {  	p0 =	seq.s32 s10, $0x1;
	s10 =	sld [smem:$0x3FB1];
	_ =	sdelay $0x3  }
0x34: {  	[smem:$0x3FB1] =	sst s10  }
0x35: {  	s10 =	sld [smem:$0x3FB0];
	_ =	sdelay $0x3  }
0x36: {  	p1 =	seq.s32 s10, $0x1;
	s10 =	sld [smem:$0x3FB1];
	_ =	sdelay $0x3  }
0x37: {  	[smem:$0x3FB1] =	sst s10  }
0x38: {  	s10 =	sld [smem:$0x3FB2]  }
0x39: {  	_ = 	snop;
	(pc) =	sbr.ind lr, $3  }
0x3a: {  	_ = 	snop  }
0x3b: {  	_ = 	snop  }
0x3c: {  	p2 =	seq.s32 s10, $0x1;
	s10 =	sld [smem:$0x3FB1]  }
0x3d: {  	_ =	shalt  }
0x3e: {  	_ =	shalt  }
0x3f: {  	_ =	shalt  }
0x40: {  	_ =	shalt  }
0x41: {  	_ =	shalt  }
0x42: {  	_ =	shalt  }
0x43: {  	_ =	shalt  }
0x44: {  	_ =	shalt  }
0x45: {  	_ =	shalt  }
0x46: {  	_ =	shalt  }
0x47: {  	_ =	shalt  }
0x48: {  	_ =	shalt  }
0x49: {  	_ =	shalt  }
0x4a: {  	_ =	shalt  }
0x4b: {  	_ =	shalt  }
0x4c: {  	_ =	shalt  }
0x4d: {  	_ =	shalt  }
0x4e: {  	_ =	shalt  }
0x4f: {  	_ =	shalt  }
0x50: {  	_ =	shalt  }
0x51: {  	_ =	shalt  }
0x52: {  	_ =	shalt  }
0x53: {  	_ =	shalt  }
0x54: {  	_ =	shalt  }
0x55: {  	_ =	shalt  }
0x56: {  	_ =	shalt  }
0x57: {  	_ =	shalt  }
0x58: {  	_ =	shalt  }
0x59: {  	_ =	shalt  }
0x5a: {  	_ =	shalt  }
0x5b: {  	_ =	shalt  }
0x5c: {  	_ =	shalt  }
0x5d: {  	_ =	shalt  }
0x5e: {  	_ =	shalt  }
0x5f: {  	_ =	shalt  }
0x60: {  	_ =	shalt  }
0x61: {  	_ =	shalt  }
0x62: {  	_ =	shalt  }
0x63: {  	_ =	shalt  }
0x64: {  	_ =	shalt  }
0x65: {  	_ =	shalt  }
0x66: {  	_ =	shalt  }
0x67: {  	_ =	shalt  }
0x68: {  	_ =	shalt  }
0x69: {  	_ =	shalt  }
0x6a: {  	_ =	shalt  }
0x6b: {  	_ =	shalt  }
0x6c: {  	_ =	shalt  }
0x6d: {  	_ =	shalt  }
0x6e: {  	_ =	shalt  }
0x6f: {  	_ =	shalt  }
0x70: {  	_ =	shalt  }
0x71: {  	_ =	shalt  }
0x72: {  	_ =	shalt  }
0x73: {  	_ =	shalt  }
0x74: {  	_ =	shalt  }
0x75: {  	_ =	shalt  }
0x76: {  	_ =	shalt  }
0x77: {  	_ =	shalt  }
0x78: {  	_ =	shalt  }
0x79: {  	_ =	shalt  }
0x7a: {  	_ =	shalt  }
0x7b: {  	_ =	shalt  }
0x7c: {  	_ =	shalt  }
0x7d: {  	_ =	shalt  }
0x7e: {  	_ =	shalt  }
0x7f: {  	_ =	shalt  }
0x80: {  	_ =	shalt  }
0x81: {  	_ =	shalt  }
0x82: {  	_ =	shalt  }
0x83: {  	_ =	shalt  }
0x84: {  	_ =	shalt  }
0x85: {  	_ =	shalt  }
0x86: {  	_ =	shalt  }
0x87: {  	_ =	shalt  }
.Lfunc_end0:
.L_simem_size_0:
called_computation.1_lowered:
.L_overlay_start_0:
0x88: {  	s2 =	sld [smem:$0x3FD9]  }
0x89: {  	s3 =	sld [smem:$0x3FFE];
	_ =	sdelay $0x1  }
0x8a: {  	s1 =	srdreg.scid  }
0x8b: {  	s0 =	sand.u32 $0x1, s1  }
0x8c: {  	s16 =	sshll.u32 s0, $0xA;
	s2 =	sadd.s32 s3, s2  }
0x8d: {  	s2 =	sadd.s32 s2, s16  }
0x8e: {  	[smem:$0x3FBD] =	sst s2  }
0x8f: {  	_ = 	snop  }
0x90: {  	(tm) =	ssettm $0x1  }
0x91: {  	s17 =	sld [smem:$0x3FFB];
	_ =	sdelay $0x3  }
0x92: {  	_ =	strace s17  }
0x93: {  	s2 =	sld [smem:$0x3FFC];
	_ =	sdelay $0x3  }
0x94: {  	_ =	strace s2  }
0x95: {  	s2 =	sld [smem:$0x3FFD];
	_ =	sdelay $0x3  }
0x96: {  	_ =	strace s2  }
0x97: {  	_ =	strace $0x8FFFFFFF  }
0x98: {  	s18 =	sld [smem:$0x3FDB];
	_ =	sdelay $0x1  }
0x99: {  	s19 =	simm.s32 $_scs_section_size  }
0x9a: {  	s4 =	simm.s32 $_size__tile_overlayer_lowered;
	s5 =	simm.s32 $_tile_overlayer_lowered  }
0x9b: {  	s22 =	simm.s32 $0x1BFF;
	s21 =	sshll.u32 s5, $0x1;
	s2 =	sadd.s32 s19, s18  }
0x9c: {  	s6 =	simm.s32 $0x0;
	s20 =	sshll.u32 s4, $0x1;
	s4 =	sadd.s32 s21, s2  }
0x9d: {  	[timem:s6], [sflag:s22] =	dma.local [hbm:s4], s20  }
0x9e: {  	_ =	swait.ge [sflag:s22], s20  }
0x9f: {  	s3 =	ssub.s32 $0x0, s20;
	[sflag:s22] =	ssyncset.done $0x0  }
0xa0: {  	[sflag:s22] =	ssyncadd.s32 s3;
	_ =	sdelay $0x1  }
0xa1: {  	s23 =	simm.s32 $0x1B8B  }
0xa2: {  	_ =	swait.ge [sflag:s23], $0x1  }
0xa3: {  	[sflag:s23] =	ssyncset.done $0x0  }
0xa4: {  	s25 =	simm.s32 $0x1B8E;
	s24 =	sld [smem:$0x3FFE];
	[sflag:s23] =	ssyncadd.s32 $0xFFFFFFFF  }
0xa5: {  	s26 =	simm.s32 $execute0_lowered;
	[smem:$0x3FD2] =	sst s25  }
0xa6: {  	s4 =	sshll.u32 s26, $0x1;
	_ =	strace $0x80000046;
	[dreg:$0x1] =	wrdreg $0xFFFFFFFF  }
0xa7: {  	s28 =	simm.s32 $_size_execute0_lowered;
	s2 =	sadd.s32 s2, s4;
	[dreg:$0x0] =	wrdreg $0x0  }
0xa8: {  	s4 =	sshll.u32 s28, $0x1;
	[dreg:$0x2] =	wrdreg s2  }
0xa9: {  	[dreg:$0x3] =	wrdreg s4  }
0xaa: {  	[dreg:$0x4] =	wrdreg $0xC0  }
0xab: {  	_ =	task [dreg:s6], $0x5FFFF  }
0xac: {  	[dreg:$0x1] =	wrdreg $0xFFFFFFFF  }
0xad: {  	[dreg:$0x0] =	wrdreg $0x60  }
0xae: {  	[dreg:$0x2] =	wrdreg s24  }
0xaf: {  	[dreg:$0x3] =	wrdreg $0xA  }
0xb0: {  	_ =	task.clear_ibuf [dreg:s6], $0x4FFFF;
	_ =	strace $0x90000046  }
0xb1: {  	s29 =	simm.s32 $0xA;
	_ =	strace $0x80000048  }
0xb2: {  	_ =	swait.ge [sflag:s29], $0x1  }
0xb3: {  	[sflag:s29] =	ssyncadd.s32 $0xFFFFFFFF  }
0xb4: {  	_ =	strace $0x90000048  }
0xb5: {  	_ =	sfence  }
0xb6: {  	s30 =	sld [smem:$0x0];
	_ =	sdelay $0x2  }
0xb7: {  	s31 =	sshll.u32 s1, $0xD;
	s1 =	sshrl.u32 s1, $0x2  }
0xb8: {  	s3 =	sand.u32 $0x4000, s31;
	s1 =	sadd.s32 s1, s30  }
0xb9: {  	s0 =	sor.u32 s3, s0;
	s1 =	sshll.u32 s1, $0x11  }
0xba: {  	s0 =	sor.u32 s1, s0  }
0xbb: {  	s0 =	sadd.s32 $0x8F2B, s0  }
0xbc: {  	[sflag:s0] =	ssyncadd.remote.s32 $0x1  }
0xbd: {  	_ =	sfence.sel $0xFFFF  }
0xbe: {  	[dreg:$0x0] =	wrdreg $0xFFFFFFFF;
	(pc) =	sbr.abs _section_cstart, $3  }
0xbf: {  	[dreg:$0x1] =	wrdreg $0xFFFFFFFF  }
0xc0: {  	_ =	task.clear_ibuf [dreg:s6], $0x2FFFF;
	_ =	strace $0x9FFFFFFF  }
0xc1: {  	(tm) =	ssettm $0x7FFFFFFF  }
tec
execute0_lowered:
.L_overlay_start_1:
0x0: {  	(tag) =	ssettag $0x1  }
0x1: {  	s7 =	rddreg [dreg:$0x0]  }
0x2: {  	s0 =	rddreg [dreg:$0x1];
	_ =	strace $0x80000047  }
0x3: {  	s1 =	srdreg.scid;
	s4 =	simm.s32 $0x1;
	s9 =	simm.s32 $0x3  }
0x4: {  	s11 =	simm.s32 $0x0;
	p0 =	por $0x0, $0x0;
	s5 =	sshll.u32 s1, $0x4  }
.Ltmp0:
0x5: {  	s1 =	stileid.u32;
	s5 =	sand.u32 $0x10, s5;
	(pc) =	sbr.rel .LBB2_1-.Ltmp0, $4  }
0x6: {  	s2 =	sadd.s32 $0x230800, s7;
	s3 =	sadd.s32 $0x30400, s7;
	s6 =	sor.u32 s1, s5  }
0x7: {  	[sflag:s4] =	ssyncpa.u1 $0x0;
	s5 =	simm.s32 $0x2;
	s6 =	sshll.u32 s6, $0x7  }
0x8: {  	s7 =	sadd.s32 $0x30800, s7;
	[sflag:s5] =	ssyncpa.u1 $0x0;
	s8 =	sadd.s32 $0x80, s6  }
0x9: {  	vm0 =	vmmov $0xff;
	vm1 =	vcmask $0x3F20;
	[sflag:s9] =	ssyncpa.u1 $0x0;
	s10 =	smov.u32 s6;
	s9 =	simm.s32 $0x0  }
.LBB2_9:
0xa: {  	p1 =	slt.u32 s9, $0x2;
	s11 =	sadd.s32 $0x20, s10  }
0xb: {  	s13 =	smov.u32 s6;
	s9 =	sadd.s32 $0x1, s9;
	p2 =	slt.s32 s11, s8  }
0xc: {  	s13 =	smov.u32 @p2 s11;
	p2 =	sne.s32 s9, $0x6  }
.Ltmp1:
0xd: {  	_ = 	snop;
	(pc) =	sbr.rel @!p2 .LBB2_10-.Ltmp1, $4  }
0xe: {  	s12 =	simm.s32 @!p1 $0x3  }
0xf: {  	_ =	swait.ge @!p1 [sflag:s12], $0x8000  }
0x10: {  	p0 =	por !p0, !p0;
	[sflag:s12] =	ssyncset.done @!p1 $0x0  }
0x11: {  	s11 =	smov.u32 s10;
	s10 =	smov.u32 s13;
	[sflag:s12] =	ssyncadd.s32 @!p1 $0xFFFF8000  }
.LBB2_1:
0x12: {  	p1 =	sgt.u32 s9, $0x3  }
0x13: {  	s12 =	sxor.u32 @!p1 $0xFFFFFFFF, s9  }
0x14: {  	s13 =	sshrl.u32 @!p1 s10, $0x3;
	s12 =	sshll.u32 @!p1 s12, $0x5  }
0x15: {  	s14 =	sand.u32 @!p1 $0x7, s10;
	s13 =	sadd.s32 @!p1 s3, s13;
	s12 =	sand.u32 @!p1 $0x20, s12  }
0x16: {  	[tilespmem:s12], [sflag:$0x2] =	stream.linear.gather @!p1 [hbm4b:s13+s14], $0x20, $0x38;
	[tilespmem:$0x10040] =	vst v63  }
0x17: {  	p1 =	seq.s32 s9, $0x0  }
0x18: {  	p2 =	seq.s32 @!p1 s9, $0x5  }
0x19: {  	p1 =	por p1, p2  }
.Ltmp2:
0x1a: {  	_ = 	snop;
	(pc) =	sbr.rel @p1 .LBB2_9-.Ltmp2, $1  }
0x1b: {  	_ =	sdelay $0x3  }
0x1c: {  	s12 =	simm.s32 $0x1  }
0x1d: {  	_ =	swait.ge [sflag:s5], $0x20;
	s13 =	sand.u32 $0x1, s9;
	s12 =	simm.s32 @!p0 $0x0  }
0x1e: {  	s15 =	simm.s32 $0x0;
	p2 =	por $0x1, $0x1;
	s12 =	sshll.u32 s12, $0x11  }
0x1f: {  	[sflag:s5] =	ssyncset.done $0x0;
	s13 =	sshll.u32 s13, $0x5;
	s14 =	sshrl.u32 s12, $0x2  }
0x20: {  	[sflag:s5] =	ssyncadd.s32 $0xFFFFFFE0;
	s12 =	sor.u32 $0x40, s14;
	s14 =	sadd.s32 $0x40, s14  }
.LBB2_3:
0x21: {  	s16 =	sshll.u32 s15, $0x4  }
0x22: {  	s16 =	sand.u32 $0x3FFFFFF0, s16  }
0x23: {  	s16 =	sadd.s32 s16, s13  }
0x24: {  	v0 =	vld.msk [tilespmem:s16+$0x0 ss:$0x1], $0xffff;
	_ =	sdelay $0x4  }
0x25: {  	vm2 =	vgt.s32 v0, $0x0  }
0x26: {  	v0 =	vnsel vm2, $0x0, v0  }
0x27: {  	v0 =	vmin.u32 v0, $0x27FF  }
0x28: {  	v1 =	vshll.u32 v0, $0x7;
	v0 =	vshll.u32 v0, $0x4  }
0x29: {  	v1 =	vand.u32 $0x1FFC00, v1;
	v0 =	vand.u32 $0x70, v0  }
0x2a: {  	v0 =	vor.u32 v0, v1  }
0x2b: {  	s31 =	sshll.u32 s15, $0x10  }
0x2c: {  	s15 =	sshra.s32 s31, $0x2  }
0x2d: {  	s15 =	sadd.s32 s15, s14  }
0x2e: {  	s17 =	sadd.s32 $0x0, s15  }
0x2f: {  	[tilespmem:s17], [sflag:$0x1] =	stream.indirect_vreg.gather [hbm:s2], $0x80, v0, vm0, $0x38;
	[tilespmem:$0x10040] =	vst v63  }
0x30: {  	p1 =	por p2, p2;
	s16 =	simm.s32 $0x1000;
	v1 =	vadd.s32 $0x80, v0;
	s17 =	sadd.s32 $0x2000, s17  }
.LBB2_4:
0x31: {  	[tilespmem:s17], [sflag:$0x1] =	stream.indirect_vreg.gather [hbm:s2], $0x80, v0, vm1, $0x38;
	[tilespmem:$0x10040] =	vst v63  }
0x32: {  	v0 =	vmov v1;
	s17 =	smov.u32 s16;
	p2 =	sne.s32 s16, $0x7000  }
.Ltmp3:
0x33: {  	s16 =	sadd.s32 $0x1000, s16;
	(pc) =	sbr.rel @p2 .LBB2_4-.Ltmp3, $4  }
0x34: {  	s17 =	sshra.s32 s17, $0x2  }
0x35: {  	s17 =	sadd.s32 s17, s15  }
0x36: {  	[tilespmem:s17], [sflag:$0x1] =	stream.indirect_vreg.gather [hbm:s2], $0x80, v1, vm0, $0x38;
	[tilespmem:$0x10040] =	vst v63  }
0x37: {  	s17 =	sadd.s32 $0x2000, s17;
	v1 =	vadd.s32 $0x80, v1  }
0x38: {  	_ = 	snop  }
.Ltmp4:
0x39: {  	_ = 	snop;
	(pc) =	sbr.rel @p1 .LBB2_3-.Ltmp4, $3  }
0x3a: {  	_ =	sdelay $0x1  }
0x3b: {  	[tilespmem:s17], [sflag:$0x1] =	stream.indirect_vreg.gather [hbm:s2], $0x80, v0, vm1, $0x38;
	[tilespmem:$0x10040] =	vst v63  }
0x3c: {  	s15 =	simm.s32 $0x1;
	p2 =	por $0x0, $0x0  }
0x3d: {  	s13 =	sshll.u32 s11, $0x7  }
0x3e: {  	s31 =	sshll.u32 s11, $0x4;
	s13 =	sand.u32 $0xFFFFFC00, s13  }
0x3f: {  	_ =	swait.ge [sflag:s4], $0x8000;
	s11 =	sand.u32 $0x70, s31;
	s13 =	sadd.s32 s13, s7  }
0x40: {  	s14 =	sadd.s32 $0x2000, s12;
	[sflag:s4] =	ssyncset.done $0x0;
	s11 =	sadd.s32 s11, s13  }
0x41: {  	[sflag:s4] =	ssyncadd.s32 $0xFFFF8000;
	s13 =	simm.s32 $0x400;
	s15 =	sadd.s32 $0x0, s11  }
.LBB2_7:
0x42: {  	[hbm:s15] =	stream.linear.scatter [tilespmem:s12], [sflag:$0x3], $0x2000, $0x38;
	[tilespmem:$0x10040] =	vst v63  }
0x43: {  	s15 =	smov.u32 s13;
	s12 =	smov.u32 s14;
	p1 =	sne.s32 s13, $0xC00  }
.Ltmp5:
0x44: {  	s13 =	sadd.s32 $0x400, s13;
	(pc) =	sbr.rel @p1 .LBB2_7-.Ltmp5, $2  }
0x45: {  	_ =	sdelay $0x2  }
0x46: {  	s14 =	sadd.s32 $0x2000, s14;
	s15 =	sadd.s32 s15, s11  }
.Ltmp6:
0x47: {  	(pc) =	sbr.rel .LBB2_9-.Ltmp6, $2  }
0x48: {  	_ =	sdelay $0x2  }
0x49: {  	[hbm:s15] =	stream.linear.scatter [tilespmem:s12], [sflag:$0x3], $0x2000, $0x38;
	[tilespmem:$0x10040] =	vst v63  }
.LBB2_10:
0x4a: {  	_ =	sfence.sel $0x180000  }
0x4b: {  	s2 =	simm.s32 $0x2;
	[bflag:$0x0] =	sbarrier.arrive $0xFFFF  }
0x4c: {  	s30 =	simm.s32 $0x3;
	[sflag:s2] =	ssyncpa.u1 $0x1  }
0x4d: {  	s31 =	simm.s32 $0x1;
	[sflag:s30] =	ssyncpa.u1 $0x1  }
0x4e: {  	[sflag:s31] =	ssyncpa.u1 $0x1  }
0x4f: {  	p0 =	sne.s32 s1, $0x0;
	_ =	strace $0x90000047  }
0x50: {  	s0 =	sadd.s32 @!p0 $0x100000, s0;
	[bflag:$0x2] =	sbarrier.arrive $0xFFFF  }
0x51: {  	[sflag:s0] =	ssyncadd.tile.s32 @!p0 $0x1;
	_ =	shalt  }
.Lfunc_end2:
_tile_overlayer_lowered:
.L_overlay_start_2:
0x52: {  	(tag) =	ssettag $0x2  }
0x53: {  	s0 =	rddreg [dreg:$0x0];
	s2 =	stileid.u32  }
0x54: {  	s1 =	rddreg [dreg:$0x1];
	p0 =	sne.s32 s2, $0x0  }
0x55: {  	s3 =	rddreg [dreg:$0x2];
	[bflag:$0x3] =	sbarrier.arrive $0xFFFF;
	s2 =	simm.s32 @!p0 $0x1C01  }
0x56: {  	[timem:s3], [sflag:s2] =	dma.local @!p0 [hbm:s0], s1  }
0x57: {  	s0 =	simm.s32 @!p0 $0x1  }
0x58: {  	_ =	swait.ge @!p0 [sflag:s0], s1  }
0x59: {  	s1 =	ssub.s32 @!p0 $0x0, s1;
	[sflag:s0] =	ssyncset.done @!p0 $0x0  }
0x5a: {  	[sflag:s0] =	ssyncadd.s32 @!p0 s1  }
0x5b: {  	[bflag:$0x3] =	sbarrier.arrive $0xFFFF  }
0x5c: {  	_ =	shalt  }

// kernel: gather_offload_async_start
scs
__scs_entry_jumppad:
0x0: {  	(pc) =	sbr.rel $0x88, $3  }
0x1: {  	(tag) =	ssettag $0x0;
	lr =	simm.s32 $0x1  }
0x2: {  	[smem:$0x3F96] =	sst lr;
	_ =	strace $0xD0000000  }
0x3: {  	_ = 	snop  }
0x4: {  	_ = 	snop  }
0x5: {  	_ = 	snop  }
0x6: {  	_ = 	snop  }
0x7: {  	_ = 	snop  }
__scs_overlays_trampoline_lowered:
0x8: {  	[smem:$0x3FA5] =	sst s0  }
0x9: {  	[smem:$0x3FA6] =	sst s1  }
0xa: {  	[smem:$0x3FA7] =	sst s2  }
0xb: {  	[smem:$0x3FA8] =	sst s3  }
0xc: {  	[smem:$0x3FA9] =	sst s4  }
0xd: {  	[smem:$0x3FAA] =	sst s5  }
0xe: {  	[smem:$0x3FAB] =	sst s6  }
0xf: {  	[smem:$0x3FAC] =	sst s7  }
0x10: {  	[smem:$0x3FAD] =	sst s8  }
0x11: {  	[smem:$0x3FAE] =	sst s9;
	s0 =	simm.s32 @!p0 $0x0  }
0x12: {  	s1 =	sld [smem:$0x3F94];
	s0 =	simm.s32 @p0 $0x1  }
0x13: {  	[smem:$0x3FAF] =	sst s0;
	s0 =	simm.s32 @!p1 $0x0  }
0x14: {  	s2 =	sld [smem:$0x3F93];
	s0 =	simm.s32 @p1 $0x1  }
0x15: {  	[smem:$0x3FB0] =	sst s0;
	s0 =	simm.s32 @!p2 $0x0  }
0x16: {  	s3 =	sld [smem:$0x3FDB];
	s0 =	simm.s32 @p2 $0x1  }
0x17: {  	s4 =	simm.s32 $0x1BF5;
	[smem:$0x3FB2] =	sst s0  }
0x18: {  	s0 =	sld [smem:$0x3F95];
	_ =	swait.ge [sflag:s4], $0x0  }
0x19: {  	s7 =	sld [smem:$0x3F96]  }
0x1a: {  	s8 =	sadd.s32 $0xFFFFE003, lr  }
0x1b: {  	s9 =	sadd.s32 $0xFFFFFEF7, lr;
	s5 =	simm.s32 $0xFFFFFFFF;
	p2 =	slt.u32 s8, $0xFFFFF086  }
0x1c: {  	p1 =	slt.u32 s9, $0xF7A;
	s5 =	simm.s32 @!p2 $0x0  }
0x1d: {  	s5 =	simm.s32 @p1 $0x1;
	p0 =	seq.s32 s7, s2  }
0x1e: {  	s7 =	smul.u32 @!p0 $0xF7A, s2;
	p2 =	seq.s32 @!p0 s5, $0x0  }
0x1f: {  	s9 =	smul.u32 $0xF7A, s1;
	s8 =	simm.s32 @!p0 $0x1BF5;
	p2 =	por !p2, p0  }
0x20: {  	[sflag:s8] =	ssyncset.s32 @!p0 $0xFFFFF086;
	s6 =	sadd.s32 @!p0 s3, s7;
	s7 =	simm.s32 @!p0 $0x108  }
0x21: {  	s3 =	sadd.s32 s3, s9;
	s6 =	sadd.s32 @!p0 $0x88, s6;
	s7 =	simm.s32 @p2 $0x1082  }
0x22: {  	[simem:s7], [sflag:s8] =	dma.local @!p0 [hbm:s6], $0xF7A  }
0x23: {  	s9 =	sor.u32 $0xD0000000, s2;
	s6 =	simm.s32 $0x108;
	_ =	swait.ge @!p0 [sflag:s8], $0x0  }
0x24: {  	s3 =	sadd.s32 $0x88, s3;
	s6 =	simm.s32 @!p1 $0x1082;
	[sflag:s4] =	ssyncset.s32 $0xFFFFF086  }
0x25: {  	[simem:s6], [sflag:s4] =	dma.local [hbm:s3], $0xF7A  }
0x26: {  	[smem:$0x3F96] =	sst s1;
	(tag) =	ssettag s2;
	_ =	strace s9  }
0x27: {  	s1 =	sld [smem:$0x3FA6]  }
0x28: {  	s2 =	sld [smem:$0x3FA7]  }
0x29: {  	s4 =	sld [smem:$0x3FA9]  }
0x2a: {  	p0 =	seq.s32 s5, $0x0;
	s5 =	sld [smem:$0x3FAA]  }
0x2b: {  	s6 =	sld [smem:$0x3FAB]  }
0x2c: {  	s7 =	sld [smem:$0x3FAC]  }
0x2d: {  	s3 =	simm.s32 $0x108;
	s8 =	sld [smem:$0x3FAD]  }
0x2e: {  	s3 =	simm.s32 @!p0 $0x1082;
	s9 =	sld [smem:$0x3FAE]  }
0x2f: {  	lr =	sadd.s32 s0, s3;
	s0 =	sld [smem:$0x3FA5]  }
0x30: {  	s3 =	sld [smem:$0x3FA8]  }
0x31: {  	[smem:$0x3FB1] =	sst s10  }
0x32: {  	s10 =	sld [smem:$0x3FAF];
	_ =	sdelay $0x3  }
0x33: {  	p0 =	seq.s32 s10, $0x1;
	s10 =	sld [smem:$0x3FB1];
	_ =	sdelay $0x3  }
0x34: {  	[smem:$0x3FB1] =	sst s10  }
0x35: {  	s10 =	sld [smem:$0x3FB0];
	_ =	sdelay $0x3  }
0x36: {  	p1 =	seq.s32 s10, $0x1;
	s10 =	sld [smem:$0x3FB1];
	_ =	sdelay $0x3  }
0x37: {  	[smem:$0x3FB1] =	sst s10  }
0x38: {  	s10 =	sld [smem:$0x3FB2]  }
0x39: {  	_ = 	snop;
	(pc) =	sbr.ind lr, $3  }
0x3a: {  	_ = 	snop  }
0x3b: {  	_ = 	snop  }
0x3c: {  	p2 =	seq.s32 s10, $0x1;
	s10 =	sld [smem:$0x3FB1]  }
0x3d: {  	_ =	shalt  }
0x3e: {  	_ =	shalt  }
0x3f: {  	_ =	shalt  }
0x40: {  	_ =	shalt  }
0x41: {  	_ =	shalt  }
0x42: {  	_ =	shalt  }
0x43: {  	_ =	shalt  }
0x44: {  	_ =	shalt  }
0x45: {  	_ =	shalt  }
0x46: {  	_ =	shalt  }
0x47: {  	_ =	shalt  }
0x48: {  	_ =	shalt  }
0x49: {  	_ =	shalt  }
0x4a: {  	_ =	shalt  }
0x4b: {  	_ =	shalt  }
0x4c: {  	_ =	shalt  }
0x4d: {  	_ =	shalt  }
0x4e: {  	_ =	shalt  }
0x4f: {  	_ =	shalt  }
0x50: {  	_ =	shalt  }
0x51: {  	_ =	shalt  }
0x52: {  	_ =	shalt  }
0x53: {  	_ =	shalt  }
0x54: {  	_ =	shalt  }
0x55: {  	_ =	shalt  }
0x56: {  	_ =	shalt  }
0x57: {  	_ =	shalt  }
0x58: {  	_ =	shalt  }
0x59: {  	_ =	shalt  }
0x5a: {  	_ =	shalt  }
0x5b: {  	_ =	shalt  }
0x5c: {  	_ =	shalt  }
0x5d: {  	_ =	shalt  }
0x5e: {  	_ =	shalt  }
0x5f: {  	_ =	shalt  }
0x60: {  	_ =	shalt  }
0x61: {  	_ =	shalt  }
0x62: {  	_ =	shalt  }
0x63: {  	_ =	shalt  }
0x64: {  	_ =	shalt  }
0x65: {  	_ =	shalt  }
0x66: {  	_ =	shalt  }
0x67: {  	_ =	shalt  }
0x68: {  	_ =	shalt  }
0x69: {  	_ =	shalt  }
0x6a: {  	_ =	shalt  }
0x6b: {  	_ =	shalt  }
0x6c: {  	_ =	shalt  }
0x6d: {  	_ =	shalt  }
0x6e: {  	_ =	shalt  }
0x6f: {  	_ =	shalt  }
0x70: {  	_ =	shalt  }
0x71: {  	_ =	shalt  }
0x72: {  	_ =	shalt  }
0x73: {  	_ =	shalt  }
0x74: {  	_ =	shalt  }
0x75: {  	_ =	shalt  }
0x76: {  	_ =	shalt  }
0x77: {  	_ =	shalt  }
0x78: {  	_ =	shalt  }
0x79: {  	_ =	shalt  }
0x7a: {  	_ =	shalt  }
0x7b: {  	_ =	shalt  }
0x7c: {  	_ =	shalt  }
0x7d: {  	_ =	shalt  }
0x7e: {  	_ =	shalt  }
0x7f: {  	_ =	shalt  }
0x80: {  	_ =	shalt  }
0x81: {  	_ =	shalt  }
0x82: {  	_ =	shalt  }
0x83: {  	_ =	shalt  }
0x84: {  	_ =	shalt  }
0x85: {  	_ =	shalt  }
0x86: {  	_ =	shalt  }
0x87: {  	_ =	shalt  }
.Lfunc_end0:
.L_simem_size_0:
called_computation_lowered:
.L_overlay_start_0:
0x88: {  	s2 =	sld [smem:$0x3FD9]  }
0x89: {  	s3 =	sld [smem:$0x3FFE];
	_ =	sdelay $0x1  }
0x8a: {  	s1 =	srdreg.scid  }
0x8b: {  	s0 =	sand.u32 $0x1, s1  }
0x8c: {  	s15 =	sshll.u32 s0, $0xA;
	s2 =	sadd.s32 s3, s2  }
0x8d: {  	s2 =	sadd.s32 s2, s15  }
0x8e: {  	[smem:$0x3FBD] =	sst s2  }
0x8f: {  	_ = 	snop  }
0x90: {  	s2 =	sld [smem:$0x3FD0];
	_ =	sdelay $0x2  }
0x91: {  	s16 =	simm.s32 $0xB;
	s4 =	simm.s32 $0x10  }
0x92: {  	[smem:s4], [sflag:s16] =	dma.local [hbm:s2], $0x1  }
0x93: {  	_ =	swait.eq [sflag:s16], $0x1  }
0x94: {  	[sflag:s16] =	ssyncset.done $0x0  }
0x95: {  	[sflag:s16] =	ssyncadd.s32 $0xFFFFFFFF  }
0x96: {  	s17 =	sld [smem:$0x10];
	(tm) =	ssettm $0x1  }
0x97: {  	s18 =	sld [smem:$0x3FFB];
	_ =	sdelay $0x3  }
0x98: {  	_ =	strace s18  }
0x99: {  	s2 =	sld [smem:$0x3FFC];
	_ =	sdelay $0x3  }
0x9a: {  	_ =	strace s2  }
0x9b: {  	s2 =	sld [smem:$0x3FFD];
	_ =	sdelay $0x3  }
0x9c: {  	_ =	strace s2  }
0x9d: {  	_ =	strace $0x8FFFFFFF  }
0x9e: {  	s19 =	sld [smem:$0x3FDB];
	_ =	sdelay $0x1  }
0x9f: {  	s20 =	simm.s32 $_scs_section_size  }
0xa0: {  	s5 =	simm.s32 $_size__tile_overlayer_lowered;
	s6 =	simm.s32 $_tile_overlayer_lowered  }
0xa1: {  	s7 =	simm.s32 $0x1BFF;
	s21 =	sshll.u32 s6, $0x1;
	s4 =	sadd.s32 s20, s19  }
0xa2: {  	s22 =	simm.s32 $0x0;
	s5 =	sshll.u32 s5, $0x1;
	s6 =	sadd.s32 s21, s4  }
0xa3: {  	[timem:s22], [sflag:s7] =	dma.local [hbm:s6], s5  }
0xa4: {  	_ =	swait.ge [sflag:s7], s5  }
0xa5: {  	s5 =	ssub.s32 $0x0, s5;
	[sflag:s7] =	ssyncset.done $0x0  }
0xa6: {  	[sflag:s7] =	ssyncadd.s32 s5;
	_ =	sdelay $0x1  }
0xa7: {  	s23 =	simm.s32 $0x1B8B  }
0xa8: {  	_ =	swait.ge [sflag:s23], $0x1  }
0xa9: {  	[sflag:s23] =	ssyncset.done $0x0  }
0xaa: {  	[sflag:s23] =	ssyncadd.s32 $0xFFFFFFFF  }
0xab: {  	s5 =	sld [smem:$0x0]  }
0xac: {  	s6 =	sand.u32 $0xFFFFFFFE, s1  }
0xad: {  	p0 =	sne.s32 s1, s6  }
0xae: {  	s6 =	sshll.u32 @p0 s6, $0xE  }
0xaf: {  	s6 =	sadd.s32 @p0 $0x11B8D, s6;
	s7 =	sshll.u32 @p0 s5, $0x11  }
0xb0: {  	s6 =	sor.u32 @p0 s7, s6  }
0xb1: {  	[sflag:s6] =	ssyncadd.remote.s32 @p0 $0x1;
	_ =	sdelay $0x1  }
0xb2: {  	s6 =	simm.s32 @p0 $0x1B8D  }
0xb3: {  	_ =	swait.eq @p0 [sflag:s6], $0x1  }
0xb4: {  	[sflag:s6] =	ssyncadd.s32 @p0 $0xFFFFFFFF  }
0xb5: {  	s7 =	sshll.u32 @!p0 s1, $0xE  }
0xb6: {  	s7 =	sor.u32 @!p0 $0x4000, s7;
	s6 =	simm.s32 @!p0 $0x1B8D  }
0xb7: {  	s5 =	sshll.u32 @!p0 s5, $0x11;
	s7 =	sadd.s32 @!p0 $0x11B8D, s7;
	_ =	swait.eq @!p0 [sflag:s6], $0x1  }
0xb8: {  	s5 =	sor.u32 @!p0 s5, s7;
	[sflag:s6] =	ssyncadd.s32 @!p0 $0xFFFFFFFF  }
0xb9: {  	s25 =	simm.s32 $0x1B8E;
	s24 =	sld [smem:$0x3FFE];
	[sflag:s5] =	ssyncadd.remote.s32 @!p0 $0x1  }
0xba: {  	s26 =	simm.s32 $execute0_lowered;
	[smem:$0x3FD2] =	sst s25  }
0xbb: {  	s6 =	sshll.u32 s26, $0x1;
	_ =	strace $0x80000049;
	[dreg:$0x1] =	wrdreg $0xFFFFFFFF  }
0xbc: {  	s28 =	simm.s32 $_size_execute0_lowered;
	s4 =	sadd.s32 s4, s6;
	[dreg:$0x0] =	wrdreg $0x0  }
0xbd: {  	s6 =	sshll.u32 s28, $0x1;
	[dreg:$0x2] =	wrdreg s4  }
0xbe: {  	[dreg:$0x3] =	wrdreg s6  }
0xbf: {  	[dreg:$0x4] =	wrdreg $0xC0  }
0xc0: {  	_ =	task [dreg:s22], $0x5FFFF  }
0xc1: {  	[dreg:$0x1] =	wrdreg $0xFFFFFFFF  }
0xc2: {  	[dreg:$0x0] =	wrdreg $0x60  }
0xc3: {  	[dreg:$0x2] =	wrdreg s24  }
0xc4: {  	[dreg:$0x3] =	wrdreg s17  }
0xc5: {  	[dreg:$0x4] =	wrdreg $0x9  }
0xc6: {  	_ =	task.clear_ibuf [dreg:s22], $0x5FFFF;
	_ =	strace $0x90000049  }
0xc7: {  	s29 =	simm.s32 $0x9;
	_ =	strace $0x8000004B  }
0xc8: {  	_ =	swait.ge [sflag:s29], $0x1  }
0xc9: {  	[sflag:s29] =	ssyncadd.s32 $0xFFFFFFFF  }
0xca: {  	_ =	strace $0x9000004B  }
0xcb: {  	_ =	sfence  }
0xcc: {  	s30 =	sld [smem:$0x0];
	_ =	sdelay $0x2  }
0xcd: {  	s31 =	sshll.u32 s1, $0xD;
	s1 =	sshrl.u32 s1, $0x2  }
0xce: {  	s4 =	sand.u32 $0x4000, s31;
	s1 =	sadd.s32 s1, s30  }
0xcf: {  	s0 =	sor.u32 s4, s0;
	s1 =	sshll.u32 s1, $0x11  }
0xd0: {  	s0 =	sor.u32 s1, s0  }
0xd1: {  	s0 =	sadd.s32 $0x8F2B, s0  }
0xd2: {  	[sflag:s0] =	ssyncadd.remote.s32 $0x1  }
0xd3: {  	_ =	sfence.sel $0xFFFF  }
0xd4: {  	[dreg:$0x0] =	wrdreg $0xFFFFFFFF;
	(pc) =	sbr.abs _section_cstart, $3  }
0xd5: {  	[dreg:$0x1] =	wrdreg $0xFFFFFFFF  }
0xd6: {  	_ =	task.clear_ibuf [dreg:s22], $0x2FFFF;
	_ =	strace $0x9FFFFFFF  }
0xd7: {  	(tm) =	ssettm $0x7FFFFFFF  }
tec
execute0_lowered:
.L_overlay_start_1:
0x0: {  	(tag) =	ssettag $0x1  }
0x1: {  	s7 =	rddreg [dreg:$0x0]  }
0x2: {  	s2 =	rddreg [dreg:$0x1]  }
0x3: {  	s0 =	rddreg [dreg:$0x2]  }
0x4: {  	s1 =	srdreg.scid;
	_ =	strace $0x8000004A;
	s4 =	simm.s32 $0x1  }
0x5: {  	s9 =	simm.s32 $0x3;
	s11 =	simm.s32 $0x0;
	s5 =	sshll.u32 s1, $0x4  }
.Ltmp0:
0x6: {  	s1 =	stileid.u32;
	s5 =	sand.u32 $0x10, s5;
	(pc) =	sbr.rel .LBB2_1-.Ltmp0, $4  }
0x7: {  	p0 =	por $0x0, $0x0;
	s3 =	sadd.s32 $0x230800, s7;
	s6 =	sor.u32 s1, s5  }
0x8: {  	[sflag:s4] =	ssyncpa.u1 $0x0;
	s5 =	simm.s32 $0x2;
	s6 =	sshll.u32 s6, $0x7  }
0x9: {  	s7 =	sadd.s32 $0x30600, s7;
	[sflag:s5] =	ssyncpa.u1 $0x0;
	s8 =	sadd.s32 $0x80, s6  }
0xa: {  	vm0 =	vmmov $0xff;
	vm1 =	vcmask $0x3F20;
	[sflag:s9] =	ssyncpa.u1 $0x0;
	s10 =	smov.u32 s6;
	s9 =	simm.s32 $0x0  }
.LBB2_9:
0xb: {  	p1 =	slt.u32 s9, $0x2;
	s11 =	sadd.s32 $0x20, s10  }
0xc: {  	s13 =	smov.u32 s6;
	s9 =	sadd.s32 $0x1, s9;
	p2 =	slt.s32 s11, s8  }
0xd: {  	s13 =	smov.u32 @p2 s11;
	p2 =	sne.s32 s9, $0x6  }
.Ltmp1:
0xe: {  	_ = 	snop;
	(pc) =	sbr.rel @!p2 .LBB2_10-.Ltmp1, $4  }
0xf: {  	s12 =	simm.s32 @!p1 $0x3  }
0x10: {  	_ =	swait.ge @!p1 [sflag:s12], $0x8000  }
0x11: {  	p0 =	por !p0, !p0;
	[sflag:s12] =	ssyncset.done @!p1 $0x0  }
0x12: {  	s11 =	smov.u32 s10;
	s10 =	smov.u32 s13;
	[sflag:s12] =	ssyncadd.s32 @!p1 $0xFFFF8000  }
.LBB2_1:
0x13: {  	p1 =	sgt.u32 s9, $0x3  }
0x14: {  	s12 =	sxor.u32 @!p1 $0xFFFFFFFF, s9  }
0x15: {  	s13 =	sshrl.u32 @!p1 s10, $0x3;
	s12 =	sshll.u32 @!p1 s12, $0x5  }
0x16: {  	s14 =	sand.u32 @!p1 $0x7, s10;
	s13 =	sadd.s32 @!p1 s7, s13;
	s12 =	sand.u32 @!p1 $0x20, s12  }
0x17: {  	[tilespmem:s12], [sflag:$0x2] =	stream.linear.gather @!p1 [hbm4b:s13+s14], $0x20, $0x38;
	[tilespmem:$0x10040] =	vst v63  }
0x18: {  	p1 =	seq.s32 s9, $0x0  }
0x19: {  	p2 =	seq.s32 @!p1 s9, $0x5  }
0x1a: {  	p1 =	por p1, p2  }
.Ltmp2:
0x1b: {  	_ = 	snop;
	(pc) =	sbr.rel @p1 .LBB2_9-.Ltmp2, $1  }
0x1c: {  	_ =	sdelay $0x3  }
0x1d: {  	s12 =	simm.s32 $0x1  }
0x1e: {  	_ =	swait.ge [sflag:s5], $0x20;
	s13 =	sand.u32 $0x1, s9;
	s12 =	simm.s32 @!p0 $0x0  }
0x1f: {  	s15 =	simm.s32 $0x0;
	p2 =	por $0x1, $0x1;
	s12 =	sshll.u32 s12, $0x11  }
0x20: {  	[sflag:s5] =	ssyncset.done $0x0;
	s13 =	sshll.u32 s13, $0x5;
	s14 =	sshrl.u32 s12, $0x2  }
0x21: {  	[sflag:s5] =	ssyncadd.s32 $0xFFFFFFE0;
	s12 =	sor.u32 $0x40, s14;
	s14 =	sadd.s32 $0x40, s14  }
.LBB2_3:
0x22: {  	s16 =	sshll.u32 s15, $0x4  }
0x23: {  	s16 =	sand.u32 $0x3FFFFFF0, s16  }
0x24: {  	s16 =	sadd.s32 s16, s13  }
0x25: {  	v0 =	vld.msk [tilespmem:s16+$0x0 ss:$0x1], $0xffff;
	_ =	sdelay $0x4  }
0x26: {  	vm2 =	vgt.s32 v0, $0x0  }
0x27: {  	v0 =	vnsel vm2, $0x0, v0  }
0x28: {  	v0 =	vmin.u32 v0, $0x27FF  }
0x29: {  	v1 =	vshll.u32 v0, $0x7;
	v0 =	vshll.u32 v0, $0x4  }
0x2a: {  	v1 =	vand.u32 $0x1FFC00, v1;
	v0 =	vand.u32 $0x70, v0  }
0x2b: {  	v0 =	vor.u32 v0, v1  }
0x2c: {  	s31 =	sshll.u32 s15, $0x10  }
0x2d: {  	s15 =	sshra.s32 s31, $0x2  }
0x2e: {  	s15 =	sadd.s32 s15, s14  }
0x2f: {  	s17 =	sadd.s32 $0x0, s15  }
0x30: {  	[tilespmem:s17], [sflag:$0x1] =	stream.indirect_vreg.gather [hbm:s3], $0x80, v0, vm0, $0x38;
	[tilespmem:$0x10040] =	vst v63  }
0x31: {  	p1 =	por p2, p2;
	s16 =	simm.s32 $0x1000;
	v1 =	vadd.s32 $0x80, v0;
	s17 =	sadd.s32 $0x2000, s17  }
.LBB2_4:
0x32: {  	[tilespmem:s17], [sflag:$0x1] =	stream.indirect_vreg.gather [hbm:s3], $0x80, v0, vm1, $0x38;
	[tilespmem:$0x10040] =	vst v63  }
0x33: {  	v0 =	vmov v1;
	s17 =	smov.u32 s16;
	p2 =	sne.s32 s16, $0x7000  }
.Ltmp3:
0x34: {  	s16 =	sadd.s32 $0x1000, s16;
	(pc) =	sbr.rel @p2 .LBB2_4-.Ltmp3, $4  }
0x35: {  	s17 =	sshra.s32 s17, $0x2  }
0x36: {  	s17 =	sadd.s32 s17, s15  }
0x37: {  	[tilespmem:s17], [sflag:$0x1] =	stream.indirect_vreg.gather [hbm:s3], $0x80, v1, vm0, $0x38;
	[tilespmem:$0x10040] =	vst v63  }
0x38: {  	s17 =	sadd.s32 $0x2000, s17;
	v1 =	vadd.s32 $0x80, v1  }
0x39: {  	_ = 	snop  }
.Ltmp4:
0x3a: {  	_ = 	snop;
	(pc) =	sbr.rel @p1 .LBB2_3-.Ltmp4, $3  }
0x3b: {  	_ =	sdelay $0x1  }
0x3c: {  	[tilespmem:s17], [sflag:$0x1] =	stream.indirect_vreg.gather [hbm:s3], $0x80, v0, vm1, $0x38;
	[tilespmem:$0x10040] =	vst v63  }
0x3d: {  	s15 =	simm.s32 $0x1;
	p2 =	por $0x0, $0x0  }
0x3e: {  	s13 =	sshll.u32 s11, $0x7  }
0x3f: {  	s31 =	sshll.u32 s11, $0x4;
	s13 =	sand.u32 $0xFFFFFC00, s13  }
0x40: {  	_ =	swait.ge [sflag:s4], $0x8000;
	s11 =	sand.u32 $0x70, s31;
	s13 =	sadd.s32 s13, s2  }
0x41: {  	s14 =	sadd.s32 $0x2000, s12;
	[sflag:s4] =	ssyncset.done $0x0;
	s11 =	sadd.s32 s11, s13  }
0x42: {  	[sflag:s4] =	ssyncadd.s32 $0xFFFF8000;
	s13 =	simm.s32 $0x400;
	s15 =	sadd.s32 $0x0, s11  }
.LBB2_7:
0x43: {  	[hbm:s15] =	stream.linear.scatter [tilespmem:s12], [sflag:$0x3], $0x2000, $0x38;
	[tilespmem:$0x10040] =	vst v63  }
0x44: {  	s15 =	smov.u32 s13;
	s12 =	smov.u32 s14;
	p1 =	sne.s32 s13, $0xC00  }
.Ltmp5:
0x45: {  	s13 =	sadd.s32 $0x400, s13;
	(pc) =	sbr.rel @p1 .LBB2_7-.Ltmp5, $2  }
0x46: {  	_ =	sdelay $0x2  }
0x47: {  	s14 =	sadd.s32 $0x2000, s14;
	s15 =	sadd.s32 s15, s11  }
.Ltmp6:
0x48: {  	(pc) =	sbr.rel .LBB2_9-.Ltmp6, $2  }
0x49: {  	_ =	sdelay $0x2  }
0x4a: {  	[hbm:s15] =	stream.linear.scatter [tilespmem:s12], [sflag:$0x3], $0x2000, $0x38;
	[tilespmem:$0x10040] =	vst v63  }
.LBB2_10:
0x4b: {  	_ =	sfence.sel $0x180000  }
0x4c: {  	s2 =	simm.s32 $0x2;
	[bflag:$0x0] =	sbarrier.arrive $0xFFFF  }
0x4d: {  	s30 =	simm.s32 $0x3;
	[sflag:s2] =	ssyncpa.u1 $0x1  }
0x4e: {  	s31 =	simm.s32 $0x1;
	[sflag:s30] =	ssyncpa.u1 $0x1  }
0x4f: {  	[sflag:s31] =	ssyncpa.u1 $0x1  }
0x50: {  	p0 =	sne.s32 s1, $0x0;
	_ =	strace $0x9000004A  }
0x51: {  	s0 =	sadd.s32 @!p0 $0x100000, s0;
	[bflag:$0x2] =	sbarrier.arrive $0xFFFF  }
0x52: {  	[sflag:s0] =	ssyncadd.tile.s32 @!p0 $0x1;
	_ =	shalt  }
.Lfunc_end2:
_tile_overlayer_lowered:
.L_overlay_start_2:
0x53: {  	(tag) =	ssettag $0x2  }
0x54: {  	s0 =	rddreg [dreg:$0x0];
	s2 =	stileid.u32  }
0x55: {  	s1 =	rddreg [dreg:$0x1];
	p0 =	sne.s32 s2, $0x0  }
0x56: {  	s3 =	rddreg [dreg:$0x2];
	[bflag:$0x3] =	sbarrier.arrive $0xFFFF;
	s2 =	simm.s32 @!p0 $0x1C01  }
0x57: {  	[timem:s3], [sflag:s2] =	dma.local @!p0 [hbm:s0], s1  }
0x58: {  	s0 =	simm.s32 @!p0 $0x1  }
0x59: {  	_ =	swait.ge @!p0 [sflag:s0], s1  }
0x5a: {  	s1 =	ssub.s32 @!p0 $0x0, s1;
	[sflag:s0] =	ssyncset.done @!p0 $0x0  }
0x5b: {  	[sflag:s0] =	ssyncadd.s32 @!p0 s1  }
0x5c: {  	[bflag:$0x3] =	sbarrier.arrive $0xFFFF  }
0x5d: {  	_ =	shalt  }

</sc_bundles>
